<compile_context>
chip_gen: v7x
topology: tpu7x:2x2x1
jax: 0.10.2.dev20260603
libtpu: 0.0.44.dev20260713+nightly
codegen_flags: <defaults>
</compile_context>

<pallas_src>
import functools

import jax
import jax.numpy as jnp
from jax import lax
from jax.experimental import pallas as pl
from jax.experimental.pallas import tpu as pltpu
from jax.experimental.pallas import tpu_sc as plsc

B, C, H, W = 4, 192, 224, 224
P = H * W
NC, NS, L = 2, 16, 16
NW = NC * NS
PLANES = B * C
PLANES_PER_TILE = PLANES // NW
CHUNK = 3136
NCHUNK = P // CHUNK
GROUPS = CHUNK // L
UNROLL = 4


def _coef_body(xs_ref, ys_ref, pk):
    xs = xs_ref[...]
    ys = ys_ref[...]
    x = (xs + 1.0) * jnp.float32(W) / 2.0
    y = (ys + 1.0) * jnp.float32(H) / 2.0
    x0r = jnp.floor(x).astype(jnp.int32)
    y0r = jnp.floor(y).astype(jnp.int32)
    x0 = jnp.clip(x0r, 0, W - 1)
    x1 = jnp.clip(x0r + 1, 0, W - 1)
    y0 = jnp.clip(y0r, 0, H - 1)
    y1 = jnp.clip(y0r + 1, 0, H - 1)
    x0f = x0.astype(jnp.float32)
    x1f = x1.astype(jnp.float32)
    y0f = y0.astype(jnp.float32)
    y1f = y1.astype(jnp.float32)
    bc = lambda v: lax.bitcast_convert_type(v, jnp.int32)
    pk[:, :, 0, :] = y0 * W + x0
    pk[:, :, 1, :] = y1 * W + x0
    pk[:, :, 2, :] = y0 * W + x1
    pk[:, :, 3, :] = y1 * W + x1
    pk[:, :, 4, :] = bc((x1f - x) * (y1f - y))
    pk[:, :, 5, :] = bc((x1f - x) * (y - y0f))
    pk[:, :, 6, :] = bc((x - x0f) * (y1f - y))
    pk[:, :, 7, :] = bc((x - x0f) * (y - y0f))


def _coefs(theta):
    x_lin = jnp.linspace(-1.0, 1.0, W, dtype=jnp.float32)
    y_lin = jnp.linspace(-1.0, 1.0, H, dtype=jnp.float32)
    x_t = jnp.tile(x_lin[None, :], (H, 1))
    y_t = jnp.tile(y_lin[:, None], (1, W))
    grid = jnp.stack(
        [x_t.ravel(), y_t.ravel(), jnp.ones(P, dtype=jnp.float32)], axis=0)
    theta_r = theta.reshape(-1, 2, 3)
    t_g = jnp.einsum('bij,jp->bip', theta_r, grid)
    xs = t_g[:, 0, :].reshape(B, NCHUNK, CHUNK)
    ys = t_g[:, 1, :].reshape(B, NCHUNK, CHUNK)
    return pl.pallas_call(
        _coef_body,
        out_shape=jax.ShapeDtypeStruct((B, NCHUNK, 8, CHUNK), jnp.int32),
    )(xs, ys)


def _sc_body(img_hbm, pk_hbm, out_hbm,
             img_v, pk0, pk1, out0, out1, sem0, sem1, semw0, semw1):
    wid = lax.axis_index("s") * NC + lax.axis_index("c")

    def fire(b, k, buf, sem):
        src = pk_hbm.at[pl.ds((b * NCHUNK + k) * (8 * CHUNK), 8 * CHUNK)]
        pltpu.async_copy(src, buf, sem)

    def drain(buf, sem):
        pltpu.make_async_copy(
            pk_hbm.at[pl.ds(0, 8 * CHUNK)], buf, sem).wait()

    def compute(buf, outb):
        @plsc.parallel_loop(0, CHUNK, step=L, unroll=UNROLL)
        def _body(o):
            ia = buf[pl.ds(0 * CHUNK + o, L)]
            ib = buf[pl.ds(1 * CHUNK + o, L)]
            ic = buf[pl.ds(2 * CHUNK + o, L)]
            idd = buf[pl.ds(3 * CHUNK + o, L)]
            wa = plsc.bitcast(buf[pl.ds(4 * CHUNK + o, L)], jnp.float32)
            wb = plsc.bitcast(buf[pl.ds(5 * CHUNK + o, L)], jnp.float32)
            wc = plsc.bitcast(buf[pl.ds(6 * CHUNK + o, L)], jnp.float32)
            wd = plsc.bitcast(buf[pl.ds(7 * CHUNK + o, L)], jnp.float32)
            outb[pl.ds(o, L)] = wa + wb + wc + wd + (ia + ib + ic + idd).astype(jnp.float32)

    def wout(g, k, outb, semw):
        pltpu.async_copy(
            outb, out_hbm.at[pl.ds(g * P + k * CHUNK, CHUNK)], semw)

    def wdrain(outb, semw):
        pltpu.make_async_copy(
            img_hbm.at[pl.ds(0, CHUNK)], outb, semw).wait()

    def per_plane(tn, carry):
        g = wid * PLANES_PER_TILE + tn
        b = g // C
        pltpu.sync_copy(img_hbm.at[pl.ds(g * P, P)], img_v)
        fire(b, 0, pk0, sem0)

        def pair(k2, carry2):
            k = 2 * k2
            fire(b, k + 1, pk1, sem1)
            drain(pk0, sem0)

            @pl.when(k2 > 0)
            def _():
                wdrain(out0, semw0)

            compute(pk0, out0)
            wout(g, k, out0, semw0)

            @pl.when(k2 < NCHUNK // 2 - 1)
            def _():
                fire(b, k + 2, pk0, sem0)

            drain(pk1, sem1)

            @pl.when(k2 > 0)
            def _():
                wdrain(out1, semw1)

            compute(pk1, out1)
            wout(g, k + 1, out1, semw1)
            return carry2

        lax.fori_loop(0, NCHUNK // 2, pair, jnp.int32(0))
        wdrain(out0, semw0)
        wdrain(out1, semw1)
        return carry

    lax.fori_loop(0, PLANES_PER_TILE, per_plane, jnp.int32(0))


@functools.cache
def _sc_sample_call():
    return pl.kernel(
        _sc_body,
        out_type=jax.ShapeDtypeStruct((PLANES * P,), jnp.float32),
        mesh=plsc.VectorSubcoreMesh(
            core_axis_name="c", subcore_axis_name="s",
            num_cores=NC, num_subcores=NS),
        compiler_params=pltpu.CompilerParams(needs_layout_passes=False),
        scratch_types=[
            pltpu.VMEM((P,), jnp.float32),
            pltpu.VMEM((8 * CHUNK,), jnp.int32),
            pltpu.VMEM((8 * CHUNK,), jnp.int32),
            pltpu.VMEM((CHUNK,), jnp.float32),
            pltpu.VMEM((CHUNK,), jnp.float32),
            pltpu.SemaphoreType.DMA,
            pltpu.SemaphoreType.DMA,
            pltpu.SemaphoreType.DMA,
            pltpu.SemaphoreType.DMA,
        ],
    )


def kernel(conv_input, theta):
    pk = _coefs(theta).reshape(-1)
    img = conv_input.reshape(PLANES * P)
    out = _sc_sample_call()(img, pk)
    return out.reshape(B, C, H, W)

# --- scband reference (transcript-rebuilt; emitter-appended) ---
"""Pipeline reference for scband-spatial-transformer-layer-69655779606791 (READ-ONLY COPY).

The authoritative reference and input builder live on the scoring server;
editing this copy changes nothing except your own understanding.
"""

import jax, jax.numpy as jnp
import numpy as np

DS = 1

def _transform(theta, inp, downsample_factor):
    B, C, H, W = inp.shape
    out_h = H // downsample_factor
    out_w = W // downsample_factor
    # meshgrid in normalized [-1, 1] coords: rows [x_t; y_t; ones], shape [3, P]
    x_lin = jnp.linspace(-1.0, 1.0, out_w, dtype=jnp.float32)
    y_lin = jnp.linspace(-1.0, 1.0, out_h, dtype=jnp.float32)
    x_t = jnp.tile(x_lin[None, :], (out_h, 1))
    y_t = jnp.tile(y_lin[:, None], (1, out_w))
    grid = jnp.stack([x_t.ravel(), y_t.ravel(), jnp.ones(out_h * out_w, dtype=jnp.float32)], axis=0)
    theta_r = theta.reshape(-1, 2, 3)
    T_g = jnp.einsum('bij,jp->bip', theta_r, grid)  # [B, 2, P]
    x_s = T_g[:, 0, :].ravel()
    y_s = T_g[:, 1, :].ravel()
    # NHWC view for interpolation
    im = jnp.transpose(inp, (0, 2, 3, 1))
    height_f = jnp.float32(H)
    width_f = jnp.float32(W)
    x = (x_s + 1.0) * width_f / 2.0
    y = (y_s + 1.0) * height_f / 2.0
    x0 = jnp.floor(x).astype(jnp.int32)
    x1 = x0 + 1
    y0 = jnp.floor(y).astype(jnp.int32)
    y1 = y0 + 1
    x0 = jnp.clip(x0, 0, W - 1)
    x1 = jnp.clip(x1, 0, W - 1)
    y0 = jnp.clip(y0, 0, H - 1)
    y1 = jnp.clip(y1, 0, H - 1)
    dim2 = W
    dim1 = W * H
    base = jnp.repeat(jnp.arange(B, dtype=jnp.int32) * dim1, out_h * out_w)
    base_y0 = base + y0 * dim2
    base_y1 = base + y1 * dim2
    idx_a = base_y0 + x0
    idx_b = base_y1 + x0
    idx_c = base_y0 + x1
    idx_d = base_y1 + x1
    im_flat = im.reshape(-1, C)
    Ia = jnp.take(im_flat, idx_a, axis=0)
    Ib = jnp.take(im_flat, idx_b, axis=0)
    Ic = jnp.take(im_flat, idx_c, axis=0)
    Id = jnp.take(im_flat, idx_d, axis=0)
    x0_f = x0.astype(jnp.float32)
    x1_f = x1.astype(jnp.float32)
    y0_f = y0.astype(jnp.float32)
    y1_f = y1.astype(jnp.float32)
    wa = ((x1_f - x) * (y1_f - y))[:, None]
    wb = ((x1_f - x) * (y - y0_f))[:, None]
    wc = ((x - x0_f) * (y1_f - y))[:, None]
    wd = ((x - x0_f) * (y - y0_f))[:, None]
    out = wa * Ia + wb * Ib + wc * Ic + wd * Id
    out = out.reshape(B, out_h, out_w, C)
    out = jnp.transpose(out, (0, 3, 1, 2))
    return out

def setup_inputs(seed: int = 0) -> dict:
    key = jax.random.key(seed)
    k1, k2 = jax.random.split(key)
    conv_input = jax.random.normal(k1, (4, 192, 224, 224), dtype=jnp.float32)
    theta = jax.random.normal(k2, (4, 6), dtype=jnp.float32)
    return {"conv_input": conv_input, "theta": theta}

def reference(conv_input, theta):
    return _transform(theta, conv_input, DS)

if __name__ == "__main__":
    import jax
    _d = setup_inputs()
    print(jax.jit(kernel)(*tuple(_d.values())))

</pallas_src>

<mosaic_0001>
#map = affine_map<(d0, d1) -> (0)>
module attributes {stable_mosaic.version = 14 : i64} {
  func.func @_sc_body(%arg0: i32, %arg1: i32, %arg2: memref<38535168xf32, #tpu.memory_space<hbm>>, %arg3: memref<1605632xi32, #tpu.memory_space<hbm>>, %arg4: memref<38535168xf32, #tpu.memory_space<hbm>>, %arg5: memref<50176xf32, #tpu.memory_space<vmem>>, %arg6: memref<25088xi32, #tpu.memory_space<vmem>>, %arg7: memref<25088xi32, #tpu.memory_space<vmem>>, %arg8: memref<3136xf32, #tpu.memory_space<vmem>>, %arg9: memref<3136xf32, #tpu.memory_space<vmem>>, %arg10: memref<!tpu.dma_semaphore, #tpu.memory_space<semaphore_mem>>, %arg11: memref<!tpu.dma_semaphore, #tpu.memory_space<semaphore_mem>>, %arg12: memref<!tpu.dma_semaphore, #tpu.memory_space<semaphore_mem>>, %arg13: memref<!tpu.dma_semaphore, #tpu.memory_space<semaphore_mem>>) attributes {dimension_semantics = [#tpu.dimension_semantics<core_parallel>, #tpu.dimension_semantics<subcore_parallel>], iteration_bounds = array<i64: 2, 16>, scalar_prefetch = 0 : i64, scratch_operands = 9 : i64, tpu.core_type = #tpu.core_type<sc_vector_subcore>, window_params = [{transform_indices = #map}, {transform_indices = #map}, {transform_indices = #map}]} {
    %mul3A = arith.constant 2 : i32
    %mul3A_0 = arith.muli %arg1, %mul3A : i32
    %add3A = arith.addi %mul3A_0, %arg0 : i32
    %scan3A = arith.constant 0 : i32
    %scan3A_1 = arith.constant 0 : i32
    %scan3A_2 = arith.constant 24 : i32
    %scan3A_3 = arith.addi %scan3A_1, %scan3A_2 : i32
    %scan3A_4 = arith.constant 1 : i32
    scf.for %scan3A_6 = %scan3A_1 to %scan3A_3 step %scan3A_4  : i32 {
      %mul3A_7 = arith.constant 24 : i32
      %mul3A_8 = arith.muli %add3A, %mul3A_7 : i32
      %add3A_9 = arith.addi %mul3A_8, %scan3A_6 : i32
      %jit3A = arith.constant 192 : i32
      %div3A = arith.divsi %add3A_9, %jit3A : i32
      %sign3A = arith.constant 0 : i32
      %sign3A_10 = arith.cmpi sgt, %add3A_9, %sign3A : i32
      %sign3A_11 = arith.extui %sign3A_10 : i1 to i32
      %sign3A_12 = arith.constant 0 : i32
      %sign3A_13 = arith.cmpi slt, %add3A_9, %sign3A_12 : i32
      %sign3A_14 = arith.extui %sign3A_13 : i1 to i32
      %sign3A_15 = arith.subi %sign3A_11, %sign3A_14 : i32
      %sign3A_16 = arith.constant 0 : i32
      %sign3A_17 = arith.cmpi sgt, %jit3A, %sign3A_16 : i32
      %sign3A_18 = arith.extui %sign3A_17 : i1 to i32
      %sign3A_19 = arith.constant 0 : i32
      %sign3A_20 = arith.cmpi slt, %jit3A, %sign3A_19 : i32
      %sign3A_21 = arith.extui %sign3A_20 : i1 to i32
      %sign3A_22 = arith.subi %sign3A_18, %sign3A_21 : i32
      %ne3A = arith.cmpi ne, %sign3A_15, %sign3A_22 : i32
      %rem3A = arith.remsi %add3A_9, %jit3A : i32
      %ne3A_23 = arith.constant 0 : i32
      %ne3A_24 = arith.cmpi ne, %rem3A, %ne3A_23 : i32
      %and3A = arith.andi %ne3A, %ne3A_24 : i1
      %sub3A = arith.constant 1 : i32
      %sub3A_25 = arith.subi %div3A, %sub3A : i32
      %select_n3A = arith.select %and3A, %sub3A_25, %div3A : i32
      %mul3A_26 = arith.constant 50176 : i32
      %mul3A_27 = arith.muli %add3A_9, %mul3A_26 : i32
      "tpu.region"() ({
        %run_scoped3A = tpu.sem_alloc : memref<!tpu.dma_semaphore, #tpu.memory_space<semaphore_mem>>
        %dma_start3A_48 = tpu.memref_slice %arg2[%mul3A_27] : memref<38535168xf32, #tpu.memory_space<hbm>> -> memref<50176xf32, #tpu.memory_space<hbm>>
        %dma_start3A_49 = tpu.memref_slice %arg2[%mul3A_27] : memref<38535168xf32, #tpu.memory_space<hbm>> -> memref<50176xf32, #tpu.memory_space<hbm>>
        tpu.enqueue_dma source(%dma_start3A_49 : memref<50176xf32, #tpu.memory_space<hbm>>) target(%arg5 : memref<50176xf32, #tpu.memory_space<vmem>>) target_semaphore(%run_scoped3A : memref<!tpu.dma_semaphore, #tpu.memory_space<semaphore_mem>>)
        %dma_wait3A_50 = tpu.memref_slice %arg2[%mul3A_27] : memref<38535168xf32, #tpu.memory_space<hbm>> -> memref<50176xf32, #tpu.memory_space<hbm>>
        %dma_wait3A_51 = tpu.memref_slice %arg2[%mul3A_27] : memref<38535168xf32, #tpu.memory_space<hbm>> -> memref<50176xf32, #tpu.memory_space<hbm>>
        tpu.wait_dma2 semaphore(%run_scoped3A : memref<!tpu.dma_semaphore, #tpu.memory_space<semaphore_mem>>) src(%dma_wait3A_51 : memref<50176xf32, #tpu.memory_space<hbm>>) dst(%arg5 : memref<50176xf32, #tpu.memory_space<vmem>>)
        tpu.yield
      }) : () -> ()
      %mul3A_28 = arith.constant 16 : i32
      %mul3A_29 = arith.muli %select_n3A, %mul3A_28 : i32
      %add3A_30 = arith.constant 0 : i32
      %add3A_31 = arith.addi %mul3A_29, %add3A_30 : i32
      %mul3A_32 = arith.constant 25088 : i32
      %mul3A_33 = arith.muli %add3A_31, %mul3A_32 : i32
      %dma_start3A = tpu.memref_slice %arg3[%mul3A_33] : memref<1605632xi32, #tpu.memory_space<hbm>> -> memref<25088xi32, #tpu.memory_space<hbm>>
      %dma_start3A_34 = tpu.memref_slice %arg3[%mul3A_33] : memref<1605632xi32, #tpu.memory_space<hbm>> -> memref<25088xi32, #tpu.memory_space<hbm>>
      tpu.enqueue_dma source(%dma_start3A_34 : memref<25088xi32, #tpu.memory_space<hbm>>) target(%arg6 : memref<25088xi32, #tpu.memory_space<vmem>>) target_semaphore(%arg10 : memref<!tpu.dma_semaphore, #tpu.memory_space<semaphore_mem>>)
      %scan3A_35 = arith.constant 0 : i32
      %scan3A_36 = arith.constant 0 : i32
      %scan3A_37 = arith.constant 8 : i32
      %scan3A_38 = arith.addi %scan3A_36, %scan3A_37 : i32
      %scan3A_39 = arith.constant 1 : i32
      scf.for %scan3A_48 = %scan3A_36 to %scan3A_38 step %scan3A_39  : i32 {
        %mul3A_49 = arith.constant 2 : i32
        %mul3A_50 = arith.muli %mul3A_49, %scan3A_48 : i32
        %add3A_51 = arith.constant 1 : i32
        %add3A_52 = arith.addi %mul3A_50, %add3A_51 : i32
        %mul3A_53 = arith.constant 16 : i32
        %mul3A_54 = arith.muli %select_n3A, %mul3A_53 : i32
        %add3A_55 = arith.addi %mul3A_54, %add3A_52 : i32
        %mul3A_56 = arith.constant 25088 : i32
        %mul3A_57 = arith.muli %add3A_55, %mul3A_56 : i32
        %dma_start3A_58 = tpu.memref_slice %arg3[%mul3A_57] : memref<1605632xi32, #tpu.memory_space<hbm>> -> memref<25088xi32, #tpu.memory_space<hbm>>
        %dma_start3A_59 = tpu.memref_slice %arg3[%mul3A_57] : memref<1605632xi32, #tpu.memory_space<hbm>> -> memref<25088xi32, #tpu.memory_space<hbm>>
        tpu.enqueue_dma source(%dma_start3A_59 : memref<25088xi32, #tpu.memory_space<hbm>>) target(%arg7 : memref<25088xi32, #tpu.memory_space<vmem>>) target_semaphore(%arg11 : memref<!tpu.dma_semaphore, #tpu.memory_space<semaphore_mem>>)
        %dma_wait3A_60 = arith.constant 0 : i32
        %dma_wait3A_61 = tpu.memref_slice %arg3[%dma_wait3A_60] : memref<1605632xi32, #tpu.memory_space<hbm>> -> memref<25088xi32, #tpu.memory_space<hbm>>
        %dma_wait3A_62 = arith.constant 0 : i32
        %dma_wait3A_63 = tpu.memref_slice %arg3[%dma_wait3A_62] : memref<1605632xi32, #tpu.memory_space<hbm>> -> memref<25088xi32, #tpu.memory_space<hbm>>
        tpu.wait_dma2 semaphore(%arg10 : memref<!tpu.dma_semaphore, #tpu.memory_space<semaphore_mem>>) src(%dma_wait3A_63 : memref<25088xi32, #tpu.memory_space<hbm>>) dst(%arg6 : memref<25088xi32, #tpu.memory_space<vmem>>)
        %gt3A = arith.constant 0 : i32
        %gt3A_64 = arith.cmpi sgt, %scan3A_48, %gt3A : i32
        %convert_element_type3A = arith.extui %gt3A_64 : i1 to i32
        %cond3A = arith.constant 0 : i32
        %cond3A_65 = arith.cmpi ne, %convert_element_type3A, %cond3A : i32
        scf.if %cond3A_65 {
          %dma_wait3A_100 = arith.constant 0 : i32
          %dma_wait3A_101 = tpu.memref_slice %arg2[%dma_wait3A_100] : memref<38535168xf32, #tpu.memory_space<hbm>> -> memref<3136xf32, #tpu.memory_space<hbm>>
          %dma_wait3A_102 = arith.constant 0 : i32
          %dma_wait3A_103 = tpu.memref_slice %arg2[%dma_wait3A_102] : memref<38535168xf32, #tpu.memory_space<hbm>> -> memref<3136xf32, #tpu.memory_space<hbm>>
          tpu.wait_dma2 semaphore(%arg12 : memref<!tpu.dma_semaphore, #tpu.memory_space<semaphore_mem>>) src(%dma_wait3A_103 : memref<3136xf32, #tpu.memory_space<hbm>>) dst(%arg8 : memref<3136xf32, #tpu.memory_space<vmem>>)
        } else {
        }
        %parallel_loop3A = arith.constant 0 : i32
        %parallel_loop3A_66 = arith.constant 3136 : i32
        %parallel_loop3A_67 = arith.constant 16 : i32
        scf.for %parallel_loop3A_100 = %parallel_loop3A to %parallel_loop3A_66 step %parallel_loop3A_67  : i32 {
          %parallel_loop3A_101 = arith.constant 0 : i32
          %parallel_loop3A_102 = arith.addi %parallel_loop3A_101, %parallel_loop3A_100 : i32
          %parallel_loop3A_103 = arith.index_cast %parallel_loop3A_102 : i32 to index
          %parallel_loop3A_104 = tpu.vector_load %arg6[%parallel_loop3A_103] {strides = array<i32>} : memref<25088xi32, #tpu.memory_space<vmem>>, vector<16xi32>,
          %parallel_loop3A_105 = arith.constant 3136 : i32
          %parallel_loop3A_106 = arith.addi %parallel_loop3A_105, %parallel_loop3A_100 : i32
          %parallel_loop3A_107 = arith.index_cast %parallel_loop3A_106 : i32 to index
          %parallel_loop3A_108 = tpu.vector_load %arg6[%parallel_loop3A_107] {strides = array<i32>} : memref<25088xi32, #tpu.memory_space<vmem>>, vector<16xi32>,
          %parallel_loop3A_109 = arith.constant 6272 : i32
          %parallel_loop3A_110 = arith.addi %parallel_loop3A_109, %parallel_loop3A_100 : i32
          %parallel_loop3A_111 = arith.index_cast %parallel_loop3A_110 : i32 to index
          %parallel_loop3A_112 = tpu.vector_load %arg6[%parallel_loop3A_111] {strides = array<i32>} : memref<25088xi32, #tpu.memory_space<vmem>>, vector<16xi32>,
          %parallel_loop3A_113 = arith.constant 9408 : i32
          %parallel_loop3A_114 = arith.addi %parallel_loop3A_113, %parallel_loop3A_100 : i32
          %parallel_loop3A_115 = arith.index_cast %parallel_loop3A_114 : i32 to index
          %parallel_loop3A_116 = tpu.vector_load %arg6[%parallel_loop3A_115] {strides = array<i32>} : memref<25088xi32, #tpu.memory_space<vmem>>, vector<16xi32>,
          %parallel_loop3A_117 = arith.constant 12544 : i32
          %parallel_loop3A_118 = arith.addi %parallel_loop3A_117, %parallel_loop3A_100 : i32
          %parallel_loop3A_119 = arith.index_cast %parallel_loop3A_118 : i32 to index
          %parallel_loop3A_120 = tpu.vector_load %arg6[%parallel_loop3A_119] {strides = array<i32>} : memref<25088xi32, #tpu.memory_space<vmem>>, vector<16xi32>,
          %parallel_loop3A_121 = vector.bitcast %parallel_loop3A_120 : vector<16xi32> to vector<16xf32>
          %parallel_loop3A_122 = arith.constant 15680 : i32
          %parallel_loop3A_123 = arith.addi %parallel_loop3A_122, %parallel_loop3A_100 : i32
          %parallel_loop3A_124 = arith.index_cast %parallel_loop3A_123 : i32 to index
          %parallel_loop3A_125 = tpu.vector_load %arg6[%parallel_loop3A_124] {strides = array<i32>} : memref<25088xi32, #tpu.memory_space<vmem>>, vector<16xi32>,
          %parallel_loop3A_126 = vector.bitcast %parallel_loop3A_125 : vector<16xi32> to vector<16xf32>
          %parallel_loop3A_127 = arith.constant 18816 : i32
          %parallel_loop3A_128 = arith.addi %parallel_loop3A_127, %parallel_loop3A_100 : i32
          %parallel_loop3A_129 = arith.index_cast %parallel_loop3A_128 : i32 to index
          %parallel_loop3A_130 = tpu.vector_load %arg6[%parallel_loop3A_129] {strides = array<i32>} : memref<25088xi32, #tpu.memory_space<vmem>>, vector<16xi32>,
          %parallel_loop3A_131 = vector.bitcast %parallel_loop3A_130 : vector<16xi32> to vector<16xf32>
          %parallel_loop3A_132 = arith.constant 21952 : i32
          %parallel_loop3A_133 = arith.addi %parallel_loop3A_132, %parallel_loop3A_100 : i32
          %parallel_loop3A_134 = arith.index_cast %parallel_loop3A_133 : i32 to index
          %parallel_loop3A_135 = tpu.vector_load %arg6[%parallel_loop3A_134] {strides = array<i32>} : memref<25088xi32, #tpu.memory_space<vmem>>, vector<16xi32>,
          %parallel_loop3A_136 = vector.bitcast %parallel_loop3A_135 : vector<16xi32> to vector<16xf32>
          %parallel_loop3A_137 = arith.addf %parallel_loop3A_121, %parallel_loop3A_126 : vector<16xf32>
          %parallel_loop3A_138 = arith.addf %parallel_loop3A_137, %parallel_loop3A_131 : vector<16xf32>
          %parallel_loop3A_139 = arith.addf %parallel_loop3A_138, %parallel_loop3A_136 : vector<16xf32>
          %parallel_loop3A_140 = arith.addi %parallel_loop3A_104, %parallel_loop3A_108 : vector<16xi32>
          %parallel_loop3A_141 = arith.addi %parallel_loop3A_140, %parallel_loop3A_112 : vector<16xi32>
          %parallel_loop3A_142 = arith.addi %parallel_loop3A_141, %parallel_loop3A_116 : vector<16xi32>
          %parallel_loop3A_143 = arith.sitofp %parallel_loop3A_142 : vector<16xi32> to vector<16xf32>
          %parallel_loop3A_144 = arith.addf %parallel_loop3A_139, %parallel_loop3A_143 : vector<16xf32>
          %parallel_loop3A_145 = arith.index_cast %parallel_loop3A_100 : i32 to index
          %parallel_loop3A_146 = tpu.vector_load %arg8[%parallel_loop3A_145] {strides = array<i32>} : memref<3136xf32, #tpu.memory_space<vmem>>, vector<16xf32>,
          tpu.vector_store %arg8[%parallel_loop3A_145], %parallel_loop3A_144 {strides = array<i32>} : memref<3136xf32, #tpu.memory_space<vmem>>, vector<16xf32>,
        } {sc.loop_unroll_factor = 4 : i64, sc.parallel_access}
        %mul3A_68 = arith.constant 50176 : i32
        %mul3A_69 = arith.muli %add3A_9, %mul3A_68 : i32
        %mul3A_70 = arith.constant 3136 : i32
        %mul3A_71 = arith.muli %mul3A_50, %mul3A_70 : i32
        %add3A_72 = arith.addi %mul3A_69, %mul3A_71 : i32
        %dma_start3A_73 = tpu.memref_slice %arg4[%add3A_72] : memref<38535168xf32, #tpu.memory_space<hbm>> -> memref<3136xf32, #tpu.memory_space<hbm>>
        %dma_start3A_74 = tpu.memref_slice %arg4[%add3A_72] : memref<38535168xf32, #tpu.memory_space<hbm>> -> memref<3136xf32, #tpu.memory_space<hbm>>
        tpu.enqueue_dma source(%arg8 : memref<3136xf32, #tpu.memory_space<vmem>>) target(%dma_start3A_74 : memref<3136xf32, #tpu.memory_space<hbm>>) target_semaphore(%arg12 : memref<!tpu.dma_semaphore, #tpu.memory_space<semaphore_mem>>)
        %lt3A = arith.constant 7 : i32
        %lt3A_75 = arith.cmpi slt, %scan3A_48, %lt3A : i32
        %convert_element_type3A_76 = arith.extui %lt3A_75 : i1 to i32
        %cond3A_77 = arith.constant 0 : i32
        %cond3A_78 = arith.cmpi ne, %convert_element_type3A_76, %cond3A_77 : i32
        scf.if %cond3A_78 {
          %add3A_100 = arith.constant 2 : i32
          %add3A_101 = arith.addi %mul3A_50, %add3A_100 : i32
          %mul3A_102 = arith.constant 16 : i32
          %mul3A_103 = arith.muli %select_n3A, %mul3A_102 : i32
          %add3A_104 = arith.addi %mul3A_103, %add3A_101 : i32
          %mul3A_105 = arith.constant 25088 : i32
          %mul3A_106 = arith.muli %add3A_104, %mul3A_105 : i32
          %dma_start3A_107 = tpu.memref_slice %arg3[%mul3A_106] : memref<1605632xi32, #tpu.memory_space<hbm>> -> memref<25088xi32, #tpu.memory_space<hbm>>
          %dma_start3A_108 = tpu.memref_slice %arg3[%mul3A_106] : memref<1605632xi32, #tpu.memory_space<hbm>> -> memref<25088xi32, #tpu.memory_space<hbm>>
          tpu.enqueue_dma source(%dma_start3A_108 : memref<25088xi32, #tpu.memory_space<hbm>>) target(%arg6 : memref<25088xi32, #tpu.memory_space<vmem>>) target_semaphore(%arg10 : memref<!tpu.dma_semaphore, #tpu.memory_space<semaphore_mem>>)
        } else {
        }
        %dma_wait3A_79 = arith.constant 0 : i32
        %dma_wait3A_80 = tpu.memref_slice %arg3[%dma_wait3A_79] : memref<1605632xi32, #tpu.memory_space<hbm>> -> memref<25088xi32, #tpu.memory_space<hbm>>
        %dma_wait3A_81 = arith.constant 0 : i32
        %dma_wait3A_82 = tpu.memref_slice %arg3[%dma_wait3A_81] : memref<1605632xi32, #tpu.memory_space<hbm>> -> memref<25088xi32, #tpu.memory_space<hbm>>
        tpu.wait_dma2 semaphore(%arg11 : memref<!tpu.dma_semaphore, #tpu.memory_space<semaphore_mem>>) src(%dma_wait3A_82 : memref<25088xi32, #tpu.memory_space<hbm>>) dst(%arg7 : memref<25088xi32, #tpu.memory_space<vmem>>)
        %gt3A_83 = arith.constant 0 : i32
        %gt3A_84 = arith.cmpi sgt, %scan3A_48, %gt3A_83 : i32
        %convert_element_type3A_85 = arith.extui %gt3A_84 : i1 to i32
        %cond3A_86 = arith.constant 0 : i32
        %cond3A_87 = arith.cmpi ne, %convert_element_type3A_85, %cond3A_86 : i32
        scf.if %cond3A_87 {
          %dma_wait3A_100 = arith.constant 0 : i32
          %dma_wait3A_101 = tpu.memref_slice %arg2[%dma_wait3A_100] : memref<38535168xf32, #tpu.memory_space<hbm>> -> memref<3136xf32, #tpu.memory_space<hbm>>
          %dma_wait3A_102 = arith.constant 0 : i32
          %dma_wait3A_103 = tpu.memref_slice %arg2[%dma_wait3A_102] : memref<38535168xf32, #tpu.memory_space<hbm>> -> memref<3136xf32, #tpu.memory_space<hbm>>
          tpu.wait_dma2 semaphore(%arg13 : memref<!tpu.dma_semaphore, #tpu.memory_space<semaphore_mem>>) src(%dma_wait3A_103 : memref<3136xf32, #tpu.memory_space<hbm>>) dst(%arg9 : memref<3136xf32, #tpu.memory_space<vmem>>)
        } else {
        }
        %parallel_loop3A_88 = arith.constant 0 : i32
        %parallel_loop3A_89 = arith.constant 3136 : i32
        %parallel_loop3A_90 = arith.constant 16 : i32
        scf.for %parallel_loop3A_100 = %parallel_loop3A_88 to %parallel_loop3A_89 step %parallel_loop3A_90  : i32 {
          %parallel_loop3A_101 = arith.constant 0 : i32
          %parallel_loop3A_102 = arith.addi %parallel_loop3A_101, %parallel_loop3A_100 : i32
          %parallel_loop3A_103 = arith.index_cast %parallel_loop3A_102 : i32 to index
          %parallel_loop3A_104 = tpu.vector_load %arg7[%parallel_loop3A_103] {strides = array<i32>} : memref<25088xi32, #tpu.memory_space<vmem>>, vector<16xi32>,
          %parallel_loop3A_105 = arith.constant 3136 : i32
          %parallel_loop3A_106 = arith.addi %parallel_loop3A_105, %parallel_loop3A_100 : i32
          %parallel_loop3A_107 = arith.index_cast %parallel_loop3A_106 : i32 to index
          %parallel_loop3A_108 = tpu.vector_load %arg7[%parallel_loop3A_107] {strides = array<i32>} : memref<25088xi32, #tpu.memory_space<vmem>>, vector<16xi32>,
          %parallel_loop3A_109 = arith.constant 6272 : i32
          %parallel_loop3A_110 = arith.addi %parallel_loop3A_109, %parallel_loop3A_100 : i32
          %parallel_loop3A_111 = arith.index_cast %parallel_loop3A_110 : i32 to index
          %parallel_loop3A_112 = tpu.vector_load %arg7[%parallel_loop3A_111] {strides = array<i32>} : memref<25088xi32, #tpu.memory_space<vmem>>, vector<16xi32>,
          %parallel_loop3A_113 = arith.constant 9408 : i32
          %parallel_loop3A_114 = arith.addi %parallel_loop3A_113, %parallel_loop3A_100 : i32
          %parallel_loop3A_115 = arith.index_cast %parallel_loop3A_114 : i32 to index
          %parallel_loop3A_116 = tpu.vector_load %arg7[%parallel_loop3A_115] {strides = array<i32>} : memref<25088xi32, #tpu.memory_space<vmem>>, vector<16xi32>,
          %parallel_loop3A_117 = arith.constant 12544 : i32
          %parallel_loop3A_118 = arith.addi %parallel_loop3A_117, %parallel_loop3A_100 : i32
          %parallel_loop3A_119 = arith.index_cast %parallel_loop3A_118 : i32 to index
          %parallel_loop3A_120 = tpu.vector_load %arg7[%parallel_loop3A_119] {strides = array<i32>} : memref<25088xi32, #tpu.memory_space<vmem>>, vector<16xi32>,
          %parallel_loop3A_121 = vector.bitcast %parallel_loop3A_120 : vector<16xi32> to vector<16xf32>
          %parallel_loop3A_122 = arith.constant 15680 : i32
          %parallel_loop3A_123 = arith.addi %parallel_loop3A_122, %parallel_loop3A_100 : i32
          %parallel_loop3A_124 = arith.index_cast %parallel_loop3A_123 : i32 to index
          %parallel_loop3A_125 = tpu.vector_load %arg7[%parallel_loop3A_124] {strides = array<i32>} : memref<25088xi32, #tpu.memory_space<vmem>>, vector<16xi32>,
          %parallel_loop3A_126 = vector.bitcast %parallel_loop3A_125 : vector<16xi32> to vector<16xf32>
          %parallel_loop3A_127 = arith.constant 18816 : i32
          %parallel_loop3A_128 = arith.addi %parallel_loop3A_127, %parallel_loop3A_100 : i32
          %parallel_loop3A_129 = arith.index_cast %parallel_loop3A_128 : i32 to index
          %parallel_loop3A_130 = tpu.vector_load %arg7[%parallel_loop3A_129] {strides = array<i32>} : memref<25088xi32, #tpu.memory_space<vmem>>, vector<16xi32>,
          %parallel_loop3A_131 = vector.bitcast %parallel_loop3A_130 : vector<16xi32> to vector<16xf32>
          %parallel_loop3A_132 = arith.constant 21952 : i32
          %parallel_loop3A_133 = arith.addi %parallel_loop3A_132, %parallel_loop3A_100 : i32
          %parallel_loop3A_134 = arith.index_cast %parallel_loop3A_133 : i32 to index
          %parallel_loop3A_135 = tpu.vector_load %arg7[%parallel_loop3A_134] {strides = array<i32>} : memref<25088xi32, #tpu.memory_space<vmem>>, vector<16xi32>,
          %parallel_loop3A_136 = vector.bitcast %parallel_loop3A_135 : vector<16xi32> to vector<16xf32>
          %parallel_loop3A_137 = arith.addf %parallel_loop3A_121, %parallel_loop3A_126 : vector<16xf32>
          %parallel_loop3A_138 = arith.addf %parallel_loop3A_137, %parallel_loop3A_131 : vector<16xf32>
          %parallel_loop3A_139 = arith.addf %parallel_loop3A_138, %parallel_loop3A_136 : vector<16xf32>
          %parallel_loop3A_140 = arith.addi %parallel_loop3A_104, %parallel_loop3A_108 : vector<16xi32>
          %parallel_loop3A_141 = arith.addi %parallel_loop3A_140, %parallel_loop3A_112 : vector<16xi32>
          %parallel_loop3A_142 = arith.addi %parallel_loop3A_141, %parallel_loop3A_116 : vector<16xi32>
          %parallel_loop3A_143 = arith.sitofp %parallel_loop3A_142 : vector<16xi32> to vector<16xf32>
          %parallel_loop3A_144 = arith.addf %parallel_loop3A_139, %parallel_loop3A_143 : vector<16xf32>
          %parallel_loop3A_145 = arith.index_cast %parallel_loop3A_100 : i32 to index
          %parallel_loop3A_146 = tpu.vector_load %arg9[%parallel_loop3A_145] {strides = array<i32>} : memref<3136xf32, #tpu.memory_space<vmem>>, vector<16xf32>,
          tpu.vector_store %arg9[%parallel_loop3A_145], %parallel_loop3A_144 {strides = array<i32>} : memref<3136xf32, #tpu.memory_space<vmem>>, vector<16xf32>,
        } {sc.loop_unroll_factor = 4 : i64, sc.parallel_access}
        %add3A_91 = arith.constant 1 : i32
        %add3A_92 = arith.addi %mul3A_50, %add3A_91 : i32
        %mul3A_93 = arith.constant 50176 : i32
        %mul3A_94 = arith.muli %add3A_9, %mul3A_93 : i32
        %mul3A_95 = arith.constant 3136 : i32
        %mul3A_96 = arith.muli %add3A_92, %mul3A_95 : i32
        %add3A_97 = arith.addi %mul3A_94, %mul3A_96 : i32
        %dma_start3A_98 = tpu.memref_slice %arg4[%add3A_97] : memref<38535168xf32, #tpu.memory_space<hbm>> -> memref<3136xf32, #tpu.memory_space<hbm>>
        %dma_start3A_99 = tpu.memref_slice %arg4[%add3A_97] : memref<38535168xf32, #tpu.memory_space<hbm>> -> memref<3136xf32, #tpu.memory_space<hbm>>
        tpu.enqueue_dma source(%arg9 : memref<3136xf32, #tpu.memory_space<vmem>>) target(%dma_start3A_99 : memref<3136xf32, #tpu.memory_space<hbm>>) target_semaphore(%arg13 : memref<!tpu.dma_semaphore, #tpu.memory_space<semaphore_mem>>)
      }
      %scan3A_40 = arith.constant 8 : i32
      %dma_wait3A = arith.constant 0 : i32
      %dma_wait3A_41 = tpu.memref_slice %arg2[%dma_wait3A] : memref<38535168xf32, #tpu.memory_space<hbm>> -> memref<3136xf32, #tpu.memory_space<hbm>>
      %dma_wait3A_42 = arith.constant 0 : i32
      %dma_wait3A_43 = tpu.memref_slice %arg2[%dma_wait3A_42] : memref<38535168xf32, #tpu.memory_space<hbm>> -> memref<3136xf32, #tpu.memory_space<hbm>>
      tpu.wait_dma2 semaphore(%arg12 : memref<!tpu.dma_semaphore, #tpu.memory_space<semaphore_mem>>) src(%dma_wait3A_43 : memref<3136xf32, #tpu.memory_space<hbm>>) dst(%arg8 : memref<3136xf32, #tpu.memory_space<vmem>>)
      %dma_wait3A_44 = arith.constant 0 : i32
      %dma_wait3A_45 = tpu.memref_slice %arg2[%dma_wait3A_44] : memref<38535168xf32, #tpu.memory_space<hbm>> -> memref<3136xf32, #tpu.memory_space<hbm>>
      %dma_wait3A_46 = arith.constant 0 : i32
      %dma_wait3A_47 = tpu.memref_slice %arg2[%dma_wait3A_46] : memref<38535168xf32, #tpu.memory_space<hbm>> -> memref<3136xf32, #tpu.memory_space<hbm>>
      tpu.wait_dma2 semaphore(%arg13 : memref<!tpu.dma_semaphore, #tpu.memory_space<semaphore_mem>>) src(%dma_wait3A_47 : memref<3136xf32, #tpu.memory_space<hbm>>) dst(%arg9 : memref<3136xf32, #tpu.memory_space<vmem>>)
    }
    %scan3A_5 = arith.constant 24 : i32
    return
  }
}

module attributes {stable_mosaic.version = 14 : i64} {
  func.func @_coef_body(%arg0: memref<4x16x3136xf32, #tpu.memory_space<vmem>>, %arg1: memref<4x16x3136xf32, #tpu.memory_space<vmem>>, %arg2: memref<4x16x8x3136xi32, #tpu.memory_space<vmem>>) attributes {dimension_semantics = [], scalar_prefetch = 0 : i64, scratch_operands = 0 : i64, tpu.core_type = #tpu.core_type<tc>} {
    %get3A = arith.constant 0 : index
    %get3A_0 = arith.constant 0 : index
    %get3A_1 = arith.constant 0 : index
    %get3A_2 = vector.load %arg0[%get3A, %get3A_0, %get3A_1] : memref<4x16x3136xf32, #tpu.memory_space<vmem>>, vector<4x16x3136xf32>
    %get3A_3 = arith.constant 0 : index
    %get3A_4 = arith.constant 0 : index
    %get3A_5 = arith.constant 0 : index
    %get3A_6 = vector.load %arg1[%get3A_3, %get3A_4, %get3A_5] : memref<4x16x3136xf32, #tpu.memory_space<vmem>>, vector<4x16x3136xf32>
    %add3A = arith.constant 1.000000e+00 : f32
    %add3A_7 = vector.broadcast %add3A : f32 to vector<4x16x3136xf32>
    %add3A_8 = arith.addf %get3A_2, %add3A_7 : vector<4x16x3136xf32>
    %mul3A = arith.constant 2.240000e+02 : f32
    %mul3A_9 = vector.broadcast %mul3A : f32 to vector<4x16x3136xf32>
    %mul3A_10 = arith.mulf %add3A_8, %mul3A_9 : vector<4x16x3136xf32>
    %div3A = arith.constant 2.000000e+00 : f32
    %div3A_11 = vector.broadcast %div3A : f32 to vector<4x16x3136xf32>
    %div3A_12 = arith.divf %mul3A_10, %div3A_11 : vector<4x16x3136xf32>
    %add3A_13 = arith.constant 1.000000e+00 : f32
    %add3A_14 = vector.broadcast %add3A_13 : f32 to vector<4x16x3136xf32>
    %add3A_15 = arith.addf %get3A_6, %add3A_14 : vector<4x16x3136xf32>
    %mul3A_16 = arith.constant 2.240000e+02 : f32
    %mul3A_17 = vector.broadcast %mul3A_16 : f32 to vector<4x16x3136xf32>
    %mul3A_18 = arith.mulf %add3A_15, %mul3A_17 : vector<4x16x3136xf32>
    %div3A_19 = arith.constant 2.000000e+00 : f32
    %div3A_20 = vector.broadcast %div3A_19 : f32 to vector<4x16x3136xf32>
    %div3A_21 = arith.divf %mul3A_18, %div3A_20 : vector<4x16x3136xf32>
    %floor3A = math.floor %div3A_12 : vector<4x16x3136xf32>
    %convert_element_type3A = arith.fptosi %floor3A : vector<4x16x3136xf32> to vector<4x16x3136xi32>
    %floor3A_22 = math.floor %div3A_21 : vector<4x16x3136xf32>
    %convert_element_type3A_23 = arith.fptosi %floor3A_22 : vector<4x16x3136xf32> to vector<4x16x3136xi32>
    %jit3A = arith.constant 0 : i32
    %jit3A_24 = arith.constant 223 : i32
    %max3A = vector.broadcast %jit3A : i32 to vector<4x16x3136xi32>
    %max3A_25 = arith.maxsi %max3A, %convert_element_type3A : vector<4x16x3136xi32>
    %min3A = vector.broadcast %jit3A_24 : i32 to vector<4x16x3136xi32>
    %min3A_26 = arith.minsi %min3A, %max3A_25 : vector<4x16x3136xi32>
    %add3A_27 = arith.constant 1 : i32
    %add3A_28 = vector.broadcast %add3A_27 : i32 to vector<4x16x3136xi32>
    %add3A_29 = arith.addi %convert_element_type3A, %add3A_28 : vector<4x16x3136xi32>
    %jit3A_30 = arith.constant 0 : i32
    %jit3A_31 = arith.constant 223 : i32
    %max3A_32 = vector.broadcast %jit3A_30 : i32 to vector<4x16x3136xi32>
    %max3A_33 = arith.maxsi %max3A_32, %add3A_29 : vector<4x16x3136xi32>
    %min3A_34 = vector.broadcast %jit3A_31 : i32 to vector<4x16x3136xi32>
    %min3A_35 = arith.minsi %min3A_34, %max3A_33 : vector<4x16x3136xi32>
    %jit3A_36 = arith.constant 0 : i32
    %jit3A_37 = arith.constant 223 : i32
    %max3A_38 = vector.broadcast %jit3A_36 : i32 to vector<4x16x3136xi32>
    %max3A_39 = arith.maxsi %max3A_38, %convert_element_type3A_23 : vector<4x16x3136xi32>
    %min3A_40 = vector.broadcast %jit3A_37 : i32 to vector<4x16x3136xi32>
    %min3A_41 = arith.minsi %min3A_40, %max3A_39 : vector<4x16x3136xi32>
    %add3A_42 = arith.constant 1 : i32
    %add3A_43 = vector.broadcast %add3A_42 : i32 to vector<4x16x3136xi32>
    %add3A_44 = arith.addi %convert_element_type3A_23, %add3A_43 : vector<4x16x3136xi32>
    %jit3A_45 = arith.constant 0 : i32
    %jit3A_46 = arith.constant 223 : i32
    %max3A_47 = vector.broadcast %jit3A_45 : i32 to vector<4x16x3136xi32>
    %max3A_48 = arith.maxsi %max3A_47, %add3A_44 : vector<4x16x3136xi32>
    %min3A_49 = vector.broadcast %jit3A_46 : i32 to vector<4x16x3136xi32>
    %min3A_50 = arith.minsi %min3A_49, %max3A_48 : vector<4x16x3136xi32>
    %convert_element_type3A_51 = arith.sitofp %min3A_26 : vector<4x16x3136xi32> to vector<4x16x3136xf32>
    %convert_element_type3A_52 = arith.sitofp %min3A_35 : vector<4x16x3136xi32> to vector<4x16x3136xf32>
    %convert_element_type3A_53 = arith.sitofp %min3A_41 : vector<4x16x3136xi32> to vector<4x16x3136xf32>
    %convert_element_type3A_54 = arith.sitofp %min3A_50 : vector<4x16x3136xi32> to vector<4x16x3136xf32>
    %mul3A_55 = arith.constant 224 : i32
    %mul3A_56 = vector.broadcast %mul3A_55 : i32 to vector<4x16x3136xi32>
    %mul3A_57 = arith.muli %min3A_41, %mul3A_56 : vector<4x16x3136xi32>
    %add3A_58 = arith.addi %mul3A_57, %min3A_26 : vector<4x16x3136xi32>
    %swap3A = arith.constant 0 : index
    %swap3A_59 = arith.constant 0 : index
    %swap3A_60 = arith.constant 0 : index
    %swap3A_61 = arith.constant 0 : index
    %swap3A_62 = vector.load %arg2[%swap3A, %swap3A_59, %swap3A_60, %swap3A_61] : memref<4x16x8x3136xi32, #tpu.memory_space<vmem>>, vector<4x16x1x3136xi32>
    %swap3A_63 = vector.shape_cast %swap3A_62 : vector<4x16x1x3136xi32> to vector<4x16x3136xi32>
    %swap3A_64 = vector.shape_cast %add3A_58 : vector<4x16x3136xi32> to vector<4x16x1x3136xi32>
    tpu.vector_store %arg2[%swap3A, %swap3A_59, %swap3A_60, %swap3A_61], %swap3A_64 {strides = array<i32>} : memref<4x16x8x3136xi32, #tpu.memory_space<vmem>>, vector<4x16x1x3136xi32>,
    %mul3A_65 = arith.constant 224 : i32
    %mul3A_66 = vector.broadcast %mul3A_65 : i32 to vector<4x16x3136xi32>
    %mul3A_67 = arith.muli %min3A_50, %mul3A_66 : vector<4x16x3136xi32>
    %add3A_68 = arith.addi %mul3A_67, %min3A_26 : vector<4x16x3136xi32>
    %swap3A_69 = arith.constant 0 : index
    %swap3A_70 = arith.constant 0 : index
    %swap3A_71 = arith.constant 1 : index
    %swap3A_72 = arith.constant 0 : index
    %swap3A_73 = vector.load %arg2[%swap3A_69, %swap3A_70, %swap3A_71, %swap3A_72] : memref<4x16x8x3136xi32, #tpu.memory_space<vmem>>, vector<4x16x1x3136xi32>
    %swap3A_74 = vector.shape_cast %swap3A_73 : vector<4x16x1x3136xi32> to vector<4x16x3136xi32>
    %swap3A_75 = vector.shape_cast %add3A_68 : vector<4x16x3136xi32> to vector<4x16x1x3136xi32>
    tpu.vector_store %arg2[%swap3A_69, %swap3A_70, %swap3A_71, %swap3A_72], %swap3A_75 {strides = array<i32>} : memref<4x16x8x3136xi32, #tpu.memory_space<vmem>>, vector<4x16x1x3136xi32>,
    %mul3A_76 = arith.constant 224 : i32
    %mul3A_77 = vector.broadcast %mul3A_76 : i32 to vector<4x16x3136xi32>
    %mul3A_78 = arith.muli %min3A_41, %mul3A_77 : vector<4x16x3136xi32>
    %add3A_79 = arith.addi %mul3A_78, %min3A_35 : vector<4x16x3136xi32>
    %swap3A_80 = arith.constant 0 : index
    %swap3A_81 = arith.constant 0 : index
    %swap3A_82 = arith.constant 2 : index
    %swap3A_83 = arith.constant 0 : index
    %swap3A_84 = vector.load %arg2[%swap3A_80, %swap3A_81, %swap3A_82, %swap3A_83] : memref<4x16x8x3136xi32, #tpu.memory_space<vmem>>, vector<4x16x1x3136xi32>
    %swap3A_85 = vector.shape_cast %swap3A_84 : vector<4x16x1x3136xi32> to vector<4x16x3136xi32>
    %swap3A_86 = vector.shape_cast %add3A_79 : vector<4x16x3136xi32> to vector<4x16x1x3136xi32>
    tpu.vector_store %arg2[%swap3A_80, %swap3A_81, %swap3A_82, %swap3A_83], %swap3A_86 {strides = array<i32>} : memref<4x16x8x3136xi32, #tpu.memory_space<vmem>>, vector<4x16x1x3136xi32>,
    %mul3A_87 = arith.constant 224 : i32
    %mul3A_88 = vector.broadcast %mul3A_87 : i32 to vector<4x16x3136xi32>
    %mul3A_89 = arith.muli %min3A_50, %mul3A_88 : vector<4x16x3136xi32>
    %add3A_90 = arith.addi %mul3A_89, %min3A_35 : vector<4x16x3136xi32>
    %swap3A_91 = arith.constant 0 : index
    %swap3A_92 = arith.constant 0 : index
    %swap3A_93 = arith.constant 3 : index
    %swap3A_94 = arith.constant 0 : index
    %swap3A_95 = vector.load %arg2[%swap3A_91, %swap3A_92, %swap3A_93, %swap3A_94] : memref<4x16x8x3136xi32, #tpu.memory_space<vmem>>, vector<4x16x1x3136xi32>
    %swap3A_96 = vector.shape_cast %swap3A_95 : vector<4x16x1x3136xi32> to vector<4x16x3136xi32>
    %swap3A_97 = vector.shape_cast %add3A_90 : vector<4x16x3136xi32> to vector<4x16x1x3136xi32>
    tpu.vector_store %arg2[%swap3A_91, %swap3A_92, %swap3A_93, %swap3A_94], %swap3A_97 {strides = array<i32>} : memref<4x16x8x3136xi32, #tpu.memory_space<vmem>>, vector<4x16x1x3136xi32>,
    %sub3A = arith.subf %convert_element_type3A_52, %div3A_12 : vector<4x16x3136xf32>
    %sub3A_98 = arith.subf %convert_element_type3A_54, %div3A_21 : vector<4x16x3136xf32>
    %mul3A_99 = arith.mulf %sub3A, %sub3A_98 : vector<4x16x3136xf32>
    %bitcast_convert_type3A = tpu.bitcast %mul3A_99 : vector<4x16x3136xf32> -> vector<4x16x3136xi32>
    %swap3A_100 = arith.constant 0 : index
    %swap3A_101 = arith.constant 0 : index
    %swap3A_102 = arith.constant 4 : index
    %swap3A_103 = arith.constant 0 : index
    %swap3A_104 = vector.load %arg2[%swap3A_100, %swap3A_101, %swap3A_102, %swap3A_103] : memref<4x16x8x3136xi32, #tpu.memory_space<vmem>>, vector<4x16x1x3136xi32>
    %swap3A_105 = vector.shape_cast %swap3A_104 : vector<4x16x1x3136xi32> to vector<4x16x3136xi32>
    %swap3A_106 = vector.shape_cast %bitcast_convert_type3A : vector<4x16x3136xi32> to vector<4x16x1x3136xi32>
    tpu.vector_store %arg2[%swap3A_100, %swap3A_101, %swap3A_102, %swap3A_103], %swap3A_106 {strides = array<i32>} : memref<4x16x8x3136xi32, #tpu.memory_space<vmem>>, vector<4x16x1x3136xi32>,
    %sub3A_107 = arith.subf %convert_element_type3A_52, %div3A_12 : vector<4x16x3136xf32>
    %sub3A_108 = arith.subf %div3A_21, %convert_element_type3A_53 : vector<4x16x3136xf32>
    %mul3A_109 = arith.mulf %sub3A_107, %sub3A_108 : vector<4x16x3136xf32>
    %bitcast_convert_type3A_110 = tpu.bitcast %mul3A_109 : vector<4x16x3136xf32> -> vector<4x16x3136xi32>
    %swap3A_111 = arith.constant 0 : index
    %swap3A_112 = arith.constant 0 : index
    %swap3A_113 = arith.constant 5 : index
    %swap3A_114 = arith.constant 0 : index
    %swap3A_115 = vector.load %arg2[%swap3A_111, %swap3A_112, %swap3A_113, %swap3A_114] : memref<4x16x8x3136xi32, #tpu.memory_space<vmem>>, vector<4x16x1x3136xi32>
    %swap3A_116 = vector.shape_cast %swap3A_115 : vector<4x16x1x3136xi32> to vector<4x16x3136xi32>
    %swap3A_117 = vector.shape_cast %bitcast_convert_type3A_110 : vector<4x16x3136xi32> to vector<4x16x1x3136xi32>
    tpu.vector_store %arg2[%swap3A_111, %swap3A_112, %swap3A_113, %swap3A_114], %swap3A_117 {strides = array<i32>} : memref<4x16x8x3136xi32, #tpu.memory_space<vmem>>, vector<4x16x1x3136xi32>,
    %sub3A_118 = arith.subf %div3A_12, %convert_element_type3A_51 : vector<4x16x3136xf32>
    %sub3A_119 = arith.subf %convert_element_type3A_54, %div3A_21 : vector<4x16x3136xf32>
    %mul3A_120 = arith.mulf %sub3A_118, %sub3A_119 : vector<4x16x3136xf32>
    %bitcast_convert_type3A_121 = tpu.bitcast %mul3A_120 : vector<4x16x3136xf32> -> vector<4x16x3136xi32>
    %swap3A_122 = arith.constant 0 : index
    %swap3A_123 = arith.constant 0 : index
    %swap3A_124 = arith.constant 6 : index
    %swap3A_125 = arith.constant 0 : index
    %swap3A_126 = vector.load %arg2[%swap3A_122, %swap3A_123, %swap3A_124, %swap3A_125] : memref<4x16x8x3136xi32, #tpu.memory_space<vmem>>, vector<4x16x1x3136xi32>
    %swap3A_127 = vector.shape_cast %swap3A_126 : vector<4x16x1x3136xi32> to vector<4x16x3136xi32>
    %swap3A_128 = vector.shape_cast %bitcast_convert_type3A_121 : vector<4x16x3136xi32> to vector<4x16x1x3136xi32>
    tpu.vector_store %arg2[%swap3A_122, %swap3A_123, %swap3A_124, %swap3A_125], %swap3A_128 {strides = array<i32>} : memref<4x16x8x3136xi32, #tpu.memory_space<vmem>>, vector<4x16x1x3136xi32>,
    %sub3A_129 = arith.subf %div3A_12, %convert_element_type3A_51 : vector<4x16x3136xf32>
    %sub3A_130 = arith.subf %div3A_21, %convert_element_type3A_53 : vector<4x16x3136xf32>
    %mul3A_131 = arith.mulf %sub3A_129, %sub3A_130 : vector<4x16x3136xf32>
    %bitcast_convert_type3A_132 = tpu.bitcast %mul3A_131 : vector<4x16x3136xf32> -> vector<4x16x3136xi32>
    %swap3A_133 = arith.constant 0 : index
    %swap3A_134 = arith.constant 0 : index
    %swap3A_135 = arith.constant 7 : index
    %swap3A_136 = arith.constant 0 : index
    %swap3A_137 = vector.load %arg2[%swap3A_133, %swap3A_134, %swap3A_135, %swap3A_136] : memref<4x16x8x3136xi32, #tpu.memory_space<vmem>>, vector<4x16x1x3136xi32>
    %swap3A_138 = vector.shape_cast %swap3A_137 : vector<4x16x1x3136xi32> to vector<4x16x3136xi32>
    %swap3A_139 = vector.shape_cast %bitcast_convert_type3A_132 : vector<4x16x3136xi32> to vector<4x16x1x3136xi32>
    tpu.vector_store %arg2[%swap3A_133, %swap3A_134, %swap3A_135, %swap3A_136], %swap3A_139 {strides = array<i32>} : memref<4x16x8x3136xi32, #tpu.memory_space<vmem>>, vector<4x16x1x3136xi32>,
    return
  }
}

</mosaic_0001>

<sc_bundles>
// kernel: kernel.4.cloned.1.call-start
scs
__scs_entry_jumppad:
0x0: {  	(pc) =	sbr.rel $0x88, $3  }
0x1: {  	(tag) =	ssettag $0x0;
	lr =	simm.s32 $0x1  }
0x2: {  	[smem:$0x3F9F] =	sst lr;
	_ =	strace $0xD0000000  }
0x3: {  	_ = 	snop  }
0x4: {  	_ = 	snop  }
0x5: {  	_ = 	snop  }
0x6: {  	_ = 	snop  }
0x7: {  	_ = 	snop  }
__scs_overlays_trampoline_lowered:
0x8: {  	[smem:$0x3FAE] =	sst s0  }
0x9: {  	[smem:$0x3FAF] =	sst s1  }
0xa: {  	[smem:$0x3FB0] =	sst s2  }
0xb: {  	[smem:$0x3FB1] =	sst s3  }
0xc: {  	[smem:$0x3FB2] =	sst s4  }
0xd: {  	[smem:$0x3FB3] =	sst s5  }
0xe: {  	[smem:$0x3FB4] =	sst s6  }
0xf: {  	[smem:$0x3FB5] =	sst s7  }
0x10: {  	[smem:$0x3FB6] =	sst s8  }
0x11: {  	[smem:$0x3FB7] =	sst s9;
	s0 =	simm.s32 @!p0 $0x0  }
0x12: {  	s1 =	sld [smem:$0x3F9D];
	s0 =	simm.s32 @p0 $0x1  }
0x13: {  	[smem:$0x3FB8] =	sst s0;
	s0 =	simm.s32 @!p1 $0x0  }
0x14: {  	s2 =	sld [smem:$0x3F9C];
	s0 =	simm.s32 @p1 $0x1  }
0x15: {  	[smem:$0x3FB9] =	sst s0;
	s0 =	simm.s32 @!p2 $0x0  }
0x16: {  	s3 =	sld [smem:$0x3FDB];
	s0 =	simm.s32 @p2 $0x1  }
0x17: {  	s4 =	simm.s32 $0x1BF5;
	[smem:$0x3FBB] =	sst s0  }
0x18: {  	s0 =	sld [smem:$0x3F9E];
	_ =	swait.ge [sflag:s4], $0x0  }
0x19: {  	s7 =	sld [smem:$0x3F9F]  }
0x1a: {  	s8 =	sadd.s32 $0xFFFFE003, lr  }
0x1b: {  	s9 =	sadd.s32 $0xFFFFFEF7, lr;
	s5 =	simm.s32 $0xFFFFFFFF;
	p2 =	slt.u32 s8, $0xFFFFF086  }
0x1c: {  	p1 =	slt.u32 s9, $0xF7A;
	s5 =	simm.s32 @!p2 $0x0  }
0x1d: {  	s5 =	simm.s32 @p1 $0x1;
	p0 =	seq.s32 s7, s2  }
0x1e: {  	s7 =	smul.u32 @!p0 $0xF7A, s2;
	p2 =	seq.s32 @!p0 s5, $0x0  }
0x1f: {  	s9 =	smul.u32 $0xF7A, s1;
	s8 =	simm.s32 @!p0 $0x1BF5;
	p2 =	por !p2, p0  }
0x20: {  	[sflag:s8] =	ssyncset.s32 @!p0 $0xFFFFF086;
	s6 =	sadd.s32 @!p0 s3, s7;
	s7 =	simm.s32 @!p0 $0x108  }
0x21: {  	s3 =	sadd.s32 s3, s9;
	s6 =	sadd.s32 @!p0 $0x88, s6;
	s7 =	simm.s32 @p2 $0x1082  }
0x22: {  	[simem:s7], [sflag:s8] =	dma.local @!p0 [hbm:s6], $0xF7A  }
0x23: {  	s9 =	sor.u32 $0xD0000000, s2;
	s6 =	simm.s32 $0x108;
	_ =	swait.ge @!p0 [sflag:s8], $0x0  }
0x24: {  	s3 =	sadd.s32 $0x88, s3;
	s6 =	simm.s32 @!p1 $0x1082;
	[sflag:s4] =	ssyncset.s32 $0xFFFFF086  }
0x25: {  	[simem:s6], [sflag:s4] =	dma.local [hbm:s3], $0xF7A  }
0x26: {  	[smem:$0x3F9F] =	sst s1;
	(tag) =	ssettag s2;
	_ =	strace s9  }
0x27: {  	s1 =	sld [smem:$0x3FAF]  }
0x28: {  	s2 =	sld [smem:$0x3FB0]  }
0x29: {  	s4 =	sld [smem:$0x3FB2]  }
0x2a: {  	p0 =	seq.s32 s5, $0x0;
	s5 =	sld [smem:$0x3FB3]  }
0x2b: {  	s6 =	sld [smem:$0x3FB4]  }
0x2c: {  	s7 =	sld [smem:$0x3FB5]  }
0x2d: {  	s3 =	simm.s32 $0x108;
	s8 =	sld [smem:$0x3FB6]  }
0x2e: {  	s3 =	simm.s32 @!p0 $0x1082;
	s9 =	sld [smem:$0x3FB7]  }
0x2f: {  	lr =	sadd.s32 s0, s3;
	s0 =	sld [smem:$0x3FAE]  }
0x30: {  	s3 =	sld [smem:$0x3FB1]  }
0x31: {  	[smem:$0x3FBA] =	sst s10  }
0x32: {  	s10 =	sld [smem:$0x3FB8];
	_ =	sdelay $0x3  }
0x33: {  	p0 =	seq.s32 s10, $0x1;
	s10 =	sld [smem:$0x3FBA];
	_ =	sdelay $0x3  }
0x34: {  	[smem:$0x3FBA] =	sst s10  }
0x35: {  	s10 =	sld [smem:$0x3FB9];
	_ =	sdelay $0x3  }
0x36: {  	p1 =	seq.s32 s10, $0x1;
	s10 =	sld [smem:$0x3FBA];
	_ =	sdelay $0x3  }
0x37: {  	[smem:$0x3FBA] =	sst s10  }
0x38: {  	s10 =	sld [smem:$0x3FBB]  }
0x39: {  	_ = 	snop;
	(pc) =	sbr.ind lr, $3  }
0x3a: {  	_ = 	snop  }
0x3b: {  	_ = 	snop  }
0x3c: {  	p2 =	seq.s32 s10, $0x1;
	s10 =	sld [smem:$0x3FBA]  }
0x3d: {  	_ =	shalt  }
0x3e: {  	_ =	shalt  }
0x3f: {  	_ =	shalt  }
0x40: {  	_ =	shalt  }
0x41: {  	_ =	shalt  }
0x42: {  	_ =	shalt  }
0x43: {  	_ =	shalt  }
0x44: {  	_ =	shalt  }
0x45: {  	_ =	shalt  }
0x46: {  	_ =	shalt  }
0x47: {  	_ =	shalt  }
0x48: {  	_ =	shalt  }
0x49: {  	_ =	shalt  }
0x4a: {  	_ =	shalt  }
0x4b: {  	_ =	shalt  }
0x4c: {  	_ =	shalt  }
0x4d: {  	_ =	shalt  }
0x4e: {  	_ =	shalt  }
0x4f: {  	_ =	shalt  }
0x50: {  	_ =	shalt  }
0x51: {  	_ =	shalt  }
0x52: {  	_ =	shalt  }
0x53: {  	_ =	shalt  }
0x54: {  	_ =	shalt  }
0x55: {  	_ =	shalt  }
0x56: {  	_ =	shalt  }
0x57: {  	_ =	shalt  }
0x58: {  	_ =	shalt  }
0x59: {  	_ =	shalt  }
0x5a: {  	_ =	shalt  }
0x5b: {  	_ =	shalt  }
0x5c: {  	_ =	shalt  }
0x5d: {  	_ =	shalt  }
0x5e: {  	_ =	shalt  }
0x5f: {  	_ =	shalt  }
0x60: {  	_ =	shalt  }
0x61: {  	_ =	shalt  }
0x62: {  	_ =	shalt  }
0x63: {  	_ =	shalt  }
0x64: {  	_ =	shalt  }
0x65: {  	_ =	shalt  }
0x66: {  	_ =	shalt  }
0x67: {  	_ =	shalt  }
0x68: {  	_ =	shalt  }
0x69: {  	_ =	shalt  }
0x6a: {  	_ =	shalt  }
0x6b: {  	_ =	shalt  }
0x6c: {  	_ =	shalt  }
0x6d: {  	_ =	shalt  }
0x6e: {  	_ =	shalt  }
0x6f: {  	_ =	shalt  }
0x70: {  	_ =	shalt  }
0x71: {  	_ =	shalt  }
0x72: {  	_ =	shalt  }
0x73: {  	_ =	shalt  }
0x74: {  	_ =	shalt  }
0x75: {  	_ =	shalt  }
0x76: {  	_ =	shalt  }
0x77: {  	_ =	shalt  }
0x78: {  	_ =	shalt  }
0x79: {  	_ =	shalt  }
0x7a: {  	_ =	shalt  }
0x7b: {  	_ =	shalt  }
0x7c: {  	_ =	shalt  }
0x7d: {  	_ =	shalt  }
0x7e: {  	_ =	shalt  }
0x7f: {  	_ =	shalt  }
0x80: {  	_ =	shalt  }
0x81: {  	_ =	shalt  }
0x82: {  	_ =	shalt  }
0x83: {  	_ =	shalt  }
0x84: {  	_ =	shalt  }
0x85: {  	_ =	shalt  }
0x86: {  	_ =	shalt  }
0x87: {  	_ =	shalt  }
.Lfunc_end0:
.L_simem_size_0:
called_computation_lowered:
.L_overlay_start_0:
0x88: {  	s2 =	sld [smem:$0x3FD9]  }
0x89: {  	s3 =	sld [smem:$0x3FFE];
	_ =	sdelay $0x1  }
0x8a: {  	s1 =	srdreg.scid  }
0x8b: {  	s0 =	sand.u32 $0x1, s1  }
0x8c: {  	s17 =	sshll.u32 s0, $0xA;
	s2 =	sadd.s32 s3, s2  }
0x8d: {  	s2 =	sadd.s32 s2, s17  }
0x8e: {  	[smem:$0x3FC6] =	sst s2  }
0x8f: {  	_ = 	snop  }
0x90: {  	s2 =	sld [smem:$0x3FD0];
	(tm) =	ssettm $0x1  }
0x91: {  	s18 =	sld [smem:$0x3FFB];
	_ =	sdelay $0x3  }
0x92: {  	_ =	strace s18  }
0x93: {  	s3 =	sld [smem:$0x3FFC];
	_ =	sdelay $0x3  }
0x94: {  	_ =	strace s3  }
0x95: {  	s3 =	sld [smem:$0x3FFD];
	_ =	sdelay $0x3  }
0x96: {  	_ =	strace s3  }
0x97: {  	_ =	strace $0x8FFFFFFF  }
0x98: {  	s19 =	sld [smem:$0x3FDB];
	_ =	sdelay $0x1  }
0x99: {  	s4 =	simm.s32 $_scs_section_size  }
0x9a: {  	s5 =	simm.s32 $_size__tile_overlayer_lowered;
	s6 =	simm.s32 $_tile_overlayer_lowered  }
0x9b: {  	s22 =	simm.s32 $0x1BFF;
	s21 =	sshll.u32 s6, $0x1;
	s3 =	sadd.s32 s4, s19  }
0x9c: {  	s7 =	simm.s32 $0x0;
	s20 =	sshll.u32 s5, $0x1;
	s5 =	sadd.s32 s21, s3  }
0x9d: {  	[timem:s7], [sflag:s22] =	dma.local [hbm:s5], s20  }
0x9e: {  	_ =	swait.ge [sflag:s22], s20  }
0x9f: {  	s4 =	ssub.s32 $0x0, s20;
	[sflag:s22] =	ssyncset.done $0x0  }
0xa0: {  	[sflag:s22] =	ssyncadd.s32 s4;
	_ =	sdelay $0x1  }
0xa1: {  	s23 =	simm.s32 $0x1B8B  }
0xa2: {  	_ =	swait.ge [sflag:s23], $0x1  }
0xa3: {  	[sflag:s23] =	ssyncset.done $0x0  }
0xa4: {  	s25 =	simm.s32 $0x1B8E;
	s24 =	sld [smem:$0x3FFE];
	[sflag:s23] =	ssyncadd.s32 $0xFFFFFFFF  }
0xa5: {  	s26 =	simm.s32 $execute0_lowered;
	[smem:$0x3FD2] =	sst s25  }
0xa6: {  	s5 =	sshll.u32 s26, $0x1;
	_ =	strace $0x80000046;
	[dreg:$0x1] =	wrdreg $0xFFFFFFFF  }
0xa7: {  	s28 =	simm.s32 $_size_execute0_lowered;
	s3 =	sadd.s32 s3, s5;
	[dreg:$0x0] =	wrdreg $0x0  }
0xa8: {  	s5 =	sshll.u32 s28, $0x1;
	[dreg:$0x2] =	wrdreg s3  }
0xa9: {  	[dreg:$0x3] =	wrdreg s5  }
0xaa: {  	[dreg:$0x4] =	wrdreg $0xC0  }
0xab: {  	_ =	task [dreg:s7], $0x5FFFF  }
0xac: {  	[dreg:$0x1] =	wrdreg $0xFFFFFFFF  }
0xad: {  	[dreg:$0x0] =	wrdreg $0x60  }
0xae: {  	[dreg:$0x2] =	wrdreg s2  }
0xaf: {  	[dreg:$0x3] =	wrdreg s24  }
0xb0: {  	[dreg:$0x4] =	wrdreg $0x9  }
0xb1: {  	_ =	task.clear_ibuf [dreg:s7], $0x5FFFF;
	_ =	strace $0x90000046  }
0xb2: {  	s29 =	simm.s32 $0x9;
	_ =	strace $0x80000048  }
0xb3: {  	_ =	swait.ge [sflag:s29], $0x1  }
0xb4: {  	[sflag:s29] =	ssyncadd.s32 $0xFFFFFFFF  }
0xb5: {  	_ =	strace $0x90000048  }
0xb6: {  	_ =	sfence  }
0xb7: {  	s30 =	sld [smem:$0x0];
	_ =	sdelay $0x2  }
0xb8: {  	s31 =	sshll.u32 s1, $0xD;
	s1 =	sshrl.u32 s1, $0x2  }
0xb9: {  	s3 =	sand.u32 $0x4000, s31;
	s1 =	sadd.s32 s1, s30  }
0xba: {  	s0 =	sor.u32 s3, s0;
	s1 =	sshll.u32 s1, $0x11  }
0xbb: {  	s0 =	sor.u32 s1, s0  }
0xbc: {  	s0 =	sadd.s32 $0x8F2B, s0  }
0xbd: {  	[sflag:s0] =	ssyncadd.remote.s32 $0x1  }
0xbe: {  	_ =	sfence.sel $0xFFFF  }
0xbf: {  	[dreg:$0x0] =	wrdreg $0xFFFFFFFF;
	(pc) =	sbr.abs _section_cstart, $3  }
0xc0: {  	[dreg:$0x1] =	wrdreg $0xFFFFFFFF  }
0xc1: {  	_ =	task.clear_ibuf [dreg:s7], $0x2FFFF;
	_ =	strace $0x9FFFFFFF  }
0xc2: {  	(tm) =	ssettm $0x7FFFFFFF  }
0xc3: {  	_ =	shalt  }
tec
execute0_lowered:
.L_overlay_start_1:
0x0: {  	(tag) =	ssettag $0x1  }
0x1: {  	s1 =	rddreg [dreg:$0x0]  }
0x2: {  	s5 =	rddreg [dreg:$0x1]  }
0x3: {  	s0 =	rddreg [dreg:$0x2];
	s2 =	simm.s32 $0x0  }
0x4: {  	s3 =	srdreg.scid;
	s10 =	simm.s32 $0x12600;
	s11 =	simm.s32 $0x1  }
0x5: {  	s12 =	simm.s32 $0x18800;
	s13 =	simm.s32 $0x2;
	s14 =	simm.s32 $0x4  }
0x6: {  	s15 =	simm.s32 $0x19480;
	s16 =	simm.s32 $0x3;
	s17 =	simm.s32 $0x0  }
0x7: {  	[smem:$0x7FF] =	sst s2;
	s6 =	sand.u32 $0x1, s3;
	s3 =	stileid.u32  }
0x8: {  	s4 =	sadd.s32 $0x600, s5;
	s5 =	sadd.s32 $0x31600, s5;
	s7 =	ssub.s32 $0x2, s6  }
0x9: {  	_ =	strace $0x80000047;
	s9 =	sshll.u32 s3, $0x1;
	s8 =	sshrl.u32 s7, $0x1  }
0xa: {  	s6 =	sor.u32 s6, s9;
	s9 =	simm.s32 $0xC400;
	s7 =	ssub.s32 s7, s8  }
0xb: {  	s6 =	smul.u32 $0x18, s6;
	s8 =	simm.s32 $0x5;
	s7 =	smax.u32 s7, $0x1  }
.LBB2_1:
0xc: {  	s18 =	simm.s32 $0x0  }
.LBB2_2:
0xd: {  	s20 =	sadd.s32 s6, s18  }
0xe: {  	s19 =	smul.u32 $0xC400, s20  }
0xf: {  	s20 =	smulhi.u32 $0xAAAAAAAB, s20  }
0x10: {  	s21 =	sshrl.u32 s19, $0x3  }
0x11: {  	s22 =	sshrl.u32 s20, $0x7;
	s20 =	simm.s32 $0x0;
	s21 =	sadd.s32 s1, s21  }
0x12: {  	[tilespmem:s20], [sflag:$0x5] =	stream.linear.gather [hbm4b:s21+s20], $0xC400, $0x38;
	[tilespmem:$0x1A100] =	vst v63  }
0x13: {  	s31 =	smul.u32 $0xC400, s22;
	_ =	swait.ge [sflag:s8], $0xC400  }
0x14: {  	[sflag:s8] =	ssyncset.done $0x0  }
0x15: {  	s21 =	sadd.s32 s4, s31;
	[sflag:s8] =	ssyncadd.s32 $0xFFFF3C00  }
0x16: {  	[tilespmem:s9], [sflag:$0x1] =	stream.linear.gather [hbm4b:s21+s20], $0x6200, $0x38;
	[tilespmem:$0x1A100] =	vst v63  }
0x17: {  	s21 =	sshll.u32 s22, $0x4  }
0x18: {  	s22 =	sor.u32 $0x2, s21  }
.LBB2_3:
0x19: {  	s23 =	sshllo.u32 s20, $0x1  }
0x1a: {  	s24 =	sadd.s32 s21, s23  }
0x1b: {  	s24 =	smul.u32 $0xC40, s24;
	_ =	sdelay $0x1  }
0x1c: {  	s24 =	sadd.s32 s4, s24  }
0x1d: {  	[tilespmem:s10], [sflag:$0x2] =	stream.linear.gather [hbm4b:s24+s2], $0x6200, $0x38;
	[tilespmem:$0x1A100] =	vst v63  }
0x1e: {  	_ =	swait.ge [sflag:s11], $0x6200  }
0x1f: {  	p0 =	seq.s32 s20, $0x0;
	[sflag:s11] =	ssyncset.done $0x0  }
0x20: {  	s24 =	simm.s32 @!p0 $0x3;
	[sflag:s11] =	ssyncadd.s32 $0xFFFF9E00  }
0x21: {  	_ =	swait.ge @!p0 [sflag:s24], $0xC40  }
0x22: {  	[sflag:s24] =	ssyncset.done @!p0 $0x0  }
0x23: {  	[sflag:s24] =	ssyncadd.s32 @!p0 $0xFFFFF3C0;
	s24 =	simm.s32 $0x0  }
0x24: {  	v0 =	vld [tilespmem:s24+$0xC400]  }
0x25: {  	s25 =	simm.s32 $0x0;
	v1 =	vld [tilespmem:s24+$0xD040]  }
0x26: {  	s26 =	sand.u32 $0xFC0, s25;
	v2 =	vld [tilespmem:s24+$0x10140]  }
0x27: {  	v3 =	vld [tilespmem:s26+$0xF500]  }
0x28: {  	v4 =	vld [tilespmem:s26+$0xDC80]  }
0x29: {  	v5 =	vld [tilespmem:s26+$0x10D80]  }
0x2a: {  	v6 =	vld [tilespmem:s24+$0xE8C0]  }
0x2b: {  	v7 =	vld [tilespmem:s24+$0x119C0]  }
0x2c: {  	v8 =	vld [tilespmem:s24+$0xF510]  }
0x2d: {  	v9 =	vld [tilespmem:s24+$0x10150]  }
0x2e: {  	v10 =	vld [tilespmem:s24+$0xF520]  }
0x2f: {  	v11 =	vld [tilespmem:s24+$0x10160]  }
0x30: {  	v12 =	vld [tilespmem:s24+$0xF530]  }
0x31: {  	v13 =	vld [tilespmem:s24+$0x10170]  }
0x32: {  	v14 =	vld [tilespmem:s24+$0xC410]  }
0x33: {  	v15 =	vld [tilespmem:s24+$0xD050]  }
0x34: {  	v16 =	vld [tilespmem:s24+$0xC420]  }
0x35: {  	v17 =	vld [tilespmem:s24+$0xD060]  }
0x36: {  	v18 =	vld [tilespmem:s24+$0xC430]  }
0x37: {  	v19 =	vld [tilespmem:s24+$0xD070]  }
0x38: {  	v20 =	vld [tilespmem:s24+$0xDC90]  }
0x39: {  	v21 =	vld [tilespmem:s24+$0xDCA0];
	v2 =	vadd.f32 v2, v3  }
0x3a: {  	v22 =	vld [tilespmem:s24+$0x10DA0];
	v0 =	vadd.s32 v0, v1  }
0x3b: {  	v23 =	vld [tilespmem:s24+$0x10DB0];
	v0 =	vadd.s32 v4, v0;
	v2 =	vadd.f32 v5, v2  }
0x3c: {  	v1 =	vld [tilespmem:s24+$0x10D90];
	v0 =	vadd.s32 v6, v0  }
0x3d: {  	v0 =	vcvt.s32.f32 v0;
	v2 =	vadd.f32 v7, v2;
	v7 =	vld [tilespmem:s24+$0xDCB0]  }
0x3e: {  	v10 =	vadd.f32 v11, v10;
	v11 =	vadd.f32 v13, v12;
	v5 =	vld [tilespmem:s24+$0xE8D0]  }
0x3f: {  	v3 =	vld [tilespmem:s24+$0xE8E0];
	v2 =	vadd.f32 v0, v2;
	v0 =	vadd.f32 v9, v8  }
0x40: {  	v63 =	vadd.s32 v18, v19;
	v4 =	vld [tilespmem:s24+$0xE8F0];
	v6 =	vadd.s32 v14, v15;
	v9 =	vadd.s32 v16, v17  }
0x41: {  	v8 =	vadd.s32 v20, v6;
	v6 =	vld [tilespmem:s24+$0x119D0];
	v9 =	vadd.s32 v21, v9;
	v0 =	vadd.f32 v1, v0  }
0x42: {  	s28 =	simm.s32 $0x100;
	s26 =	sshll.u32 s20, $0x1;
	[tilespmem:s24+$0x18800] =	vst v2;
	v1 =	vadd.f32 v22, v10;
	v2 =	vadd.f32 v23, v11;
	v10 =	vadd.s32 v7, v63;
	v7 =	vld [tilespmem:s24+$0x119E0]  }
.LBB2_4:
0x43: {  	s29 =	sshra.s32 s28, $0x2;
	v5 =	vadd.s32 v5, v8;
	v8 =	vld [tilespmem:s24+$0x119F0]  }
0x44: {  	v11 =	vld [tilespmem:s29+$0xC400];
	v5 =	vcvt.s32.f32 v5;
	v3 =	vadd.s32 v3, v9  }
0x45: {  	s25 =	sadd.s32 $0x40, s25;
	v9 =	vld [tilespmem:s29+$0xD040];
	v3 =	vcvt.s32.f32 v3;
	v4 =	vadd.s32 v4, v10  }
0x46: {  	s30 =	sand.u32 $0xFC0, s25;
	p1 =	slt.u32 s25, $0xC00;
	v10 =	vld [tilespmem:s29+$0x10140];
	v0 =	vadd.f32 v6, v0;
	v4 =	vcvt.s32.f32 v4  }
0x47: {  	v6 =	vld [tilespmem:s30+$0xF500];
	v1 =	vadd.f32 v7, v1  }
0x48: {  	v7 =	vld [tilespmem:s30+$0xDC80];
	v0 =	vadd.f32 v5, v0;
	v2 =	vadd.f32 v8, v2  }
0x49: {  	v5 =	vld [tilespmem:s30+$0x10D80];
	v1 =	vadd.f32 v3, v1  }
0x4a: {  	v3 =	vld [tilespmem:s29+$0xE8C0];
	[tilespmem:s24+$0x18810] =	vst v0;
	v0 =	vadd.f32 v4, v2  }
0x4b: {  	v2 =	vld [tilespmem:s29+$0x119C0];
	[tilespmem:s24+$0x18820] =	vst v1  }
0x4c: {  	v1 =	vadd.f32 v10, v6;
	v4 =	vld [tilespmem:s29+$0xF510];
	[tilespmem:s24+$0x18830] =	vst v0;
	s24 =	smov.u32 s29  }
0x4d: {  	v0 =	vadd.s32 v11, v9;
	v6 =	vld [tilespmem:s24+$0x10150]  }
0x4e: {  	v0 =	vadd.s32 v7, v0;
	v1 =	vadd.f32 v5, v1;
	v5 =	vld [tilespmem:s24+$0xF520]  }
0x4f: {  	v0 =	vadd.s32 v3, v0;
	v3 =	vld [tilespmem:s24+$0x10160]  }
0x50: {  	v1 =	vadd.f32 v2, v1;
	v0 =	vcvt.s32.f32 v0;
	v2 =	vld [tilespmem:s24+$0xF530]  }
0x51: {  	v7 =	vld [tilespmem:s24+$0x10170]  }
0x52: {  	v0 =	vadd.f32 v0, v1;
	v1 =	vld [tilespmem:s24+$0xC410];
	v4 =	vadd.f32 v6, v4  }
0x53: {  	v6 =	vld [tilespmem:s24+$0xD050]  }
0x54: {  	[tilespmem:s24+$0x18800] =	vst v0;
	v0 =	vld [tilespmem:s24+$0xC420];
	v10 =	vadd.f32 v3, v5  }
0x55: {  	v3 =	vld [tilespmem:s24+$0xD060]  }
0x56: {  	v5 =	vld [tilespmem:s24+$0xC430];
	v2 =	vadd.f32 v7, v2  }
0x57: {  	v7 =	vld [tilespmem:s24+$0xD070]  }
0x58: {  	v8 =	vld [tilespmem:s24+$0xDC90];
	v1 =	vadd.s32 v1, v6  }
0x59: {  	v6 =	vld [tilespmem:s24+$0x10D90]  }
0x5a: {  	v9 =	vld [tilespmem:s24+$0xDCA0];
	v11 =	vadd.s32 v0, v3  }
0x5b: {  	v12 =	vld [tilespmem:s24+$0x10DA0]  }
0x5c: {  	v13 =	vld [tilespmem:s24+$0xDCB0];
	v7 =	vadd.s32 v5, v7  }
0x5d: {  	v8 =	vadd.s32 v8, v1;
	v14 =	vld [tilespmem:s24+$0x10DB0]  }
.Ltmp0:
0x5e: {  	v5 =	vld [tilespmem:s24+$0xE8D0];
	v0 =	vadd.f32 v6, v4;
	(pc) =	sbr.rel @p1 .LBB2_4-.Ltmp0, $4  }
0x5f: {  	v3 =	vld [tilespmem:s24+$0xE8E0];
	v9 =	vadd.s32 v9, v11  }
0x60: {  	v1 =	vadd.f32 v12, v10;
	v4 =	vld [tilespmem:s24+$0xE8F0]  }
0x61: {  	v6 =	vld [tilespmem:s24+$0x119D0];
	v10 =	vadd.s32 v13, v7  }
0x62: {  	s28 =	sadd.s32 $0x100, s28;
	v7 =	vld [tilespmem:s24+$0x119E0];
	v2 =	vadd.f32 v14, v2  }
0x63: {  	v11 =	vld [tilespmem:s24+$0x119F0];
	_ =	sdelay $0x1  }
0x64: {  	v5 =	vadd.s32 v5, v8  }
0x65: {  	v5 =	vcvt.s32.f32 v5;
	v3 =	vadd.s32 v3, v9;
	v0 =	vadd.f32 v6, v0  }
0x66: {  	v3 =	vcvt.s32.f32 v3;
	v4 =	vadd.s32 v4, v10;
	v1 =	vadd.f32 v7, v1  }
0x67: {  	s25 =	smul.u32 $0x1880, s20;
	p1 =	sne.s32 s20, $0x7;
	v4 =	vcvt.s32.f32 v4;
	v0 =	vadd.f32 v5, v0;
	v2 =	vadd.f32 v11, v2  }
.Ltmp1:
0x68: {  	v1 =	vadd.f32 v3, v1;
	(pc) =	sbr.rel @p1 .LBB2_7-.Ltmp1, $4  }
0x69: {  	s25 =	sadd.s32 s19, s25;
	[tilespmem:s24+$0x18810] =	vst v0;
	v63 =	vadd.f32 v4, v2  }
0x6a: {  	s25 =	sshrl.u32 s25, $0x3;
	[tilespmem:s24+$0x18820] =	vst v1  }
0x6b: {  	s31 =	sadd.s32 s5, s25;
	[tilespmem:s24+$0x18830] =	vst v63  }
0x6c: {  	[hbm4b:s31+s2] =	stream.linear.scatter [tilespmem:s12], [sflag:$0x3], $0xC40, $0x38;
	[tilespmem:$0x1A100] =	vst v63  }
.Ltmp2:
0x6d: {  	(pc) =	sbr.rel .LBB2_8-.Ltmp2, $4  }
0x6e: {  	_ = 	snop  }
0x6f: {  	_ =	swait.ge [sflag:s13], $0x6200  }
0x70: {  	[sflag:s13] =	ssyncset.done $0x0  }
0x71: {  	[sflag:s13] =	ssyncadd.s32 $0xFFFF9E00  }
.LBB2_7:
0x72: {  	s24 =	sadd.s32 s26, s22  }
0x73: {  	s24 =	smul.u32 $0xC40, s24;
	_ =	sdelay $0x1  }
.Ltmp3:
0x74: {  	s24 =	sadd.s32 s4, s24;
	(pc) =	sbr.rel @p0 .LBB2_9-.Ltmp3, $4  }
0x75: {  	[tilespmem:s9], [sflag:$0x1] =	stream.linear.gather [hbm4b:s24+s2], $0x6200, $0x38;
	[tilespmem:$0x1A100] =	vst v63  }
0x76: {  	_ =	swait.ge [sflag:s13], $0x6200  }
0x77: {  	[sflag:s13] =	ssyncset.done $0x0  }
0x78: {  	[sflag:s13] =	ssyncadd.s32 $0xFFFF9E00  }
.LBB2_8:
0x79: {  	_ =	swait.ge [sflag:s14], $0xC40  }
0x7a: {  	[sflag:s14] =	ssyncset.done $0x0  }
0x7b: {  	[sflag:s14] =	ssyncadd.s32 $0xFFFFF3C0  }
.LBB2_9:
0x7c: {  	s24 =	simm.s32 $0x0  }
0x7d: {  	v0 =	vld [tilespmem:s24+$0x12600]  }
0x7e: {  	v1 =	vld [tilespmem:s24+$0x13240]  }
0x7f: {  	v2 =	vld [tilespmem:s24+$0x16340]  }
0x80: {  	v6 =	vld [tilespmem:s24+$0x14AC0]  }
0x81: {  	v7 =	vld [tilespmem:s24+$0x17BC0]  }
0x82: {  	v8 =	vld [tilespmem:s24+$0x15710]  }
0x83: {  	v9 =	vld [tilespmem:s24+$0x16350]  }
0x84: {  	v10 =	vld [tilespmem:s24+$0x15720]  }
0x85: {  	v11 =	vld [tilespmem:s24+$0x16360]  }
0x86: {  	v12 =	vld [tilespmem:s24+$0x15730]  }
0x87: {  	v13 =	vld [tilespmem:s24+$0x16370]  }
0x88: {  	v14 =	vld [tilespmem:s24+$0x12610]  }
0x89: {  	v15 =	vld [tilespmem:s24+$0x13250]  }
0x8a: {  	v16 =	vld [tilespmem:s24+$0x12620]  }
0x8b: {  	s25 =	simm.s32 $0x0;
	v17 =	vld [tilespmem:s24+$0x13260]  }
0x8c: {  	s26 =	sand.u32 $0xFC0, s25;
	v18 =	vld [tilespmem:s24+$0x12630]  }
0x8d: {  	v3 =	vld [tilespmem:s26+$0x15700]  }
0x8e: {  	v4 =	vld [tilespmem:s26+$0x13E80]  }
0x8f: {  	v5 =	vld [tilespmem:s26+$0x16F80]  }
0x90: {  	v19 =	vld [tilespmem:s24+$0x13270]  }
0x91: {  	v20 =	vld [tilespmem:s24+$0x13E90]  }
0x92: {  	v21 =	vld [tilespmem:s24+$0x13EA0];
	v2 =	vadd.f32 v2, v3  }
0x93: {  	v22 =	vld [tilespmem:s24+$0x16FA0];
	v0 =	vadd.s32 v0, v1  }
0x94: {  	v23 =	vld [tilespmem:s24+$0x16FB0];
	v0 =	vadd.s32 v4, v0;
	v2 =	vadd.f32 v5, v2  }
0x95: {  	v1 =	vld [tilespmem:s24+$0x16F90];
	v0 =	vadd.s32 v6, v0  }
0x96: {  	v0 =	vcvt.s32.f32 v0;
	v2 =	vadd.f32 v7, v2;
	v7 =	vld [tilespmem:s24+$0x13EB0]  }
0x97: {  	v10 =	vadd.f32 v11, v10;
	v11 =	vadd.f32 v13, v12;
	v5 =	vld [tilespmem:s24+$0x14AD0]  }
0x98: {  	v3 =	vld [tilespmem:s24+$0x14AE0];
	v2 =	vadd.f32 v0, v2;
	v0 =	vadd.f32 v9, v8  }
0x99: {  	v63 =	vadd.s32 v18, v19;
	v4 =	vld [tilespmem:s24+$0x14AF0];
	v6 =	vadd.s32 v14, v15;
	v9 =	vadd.s32 v16, v17  }
0x9a: {  	v8 =	vadd.s32 v20, v6;
	v6 =	vld [tilespmem:s24+$0x17BD0];
	v9 =	vadd.s32 v21, v9;
	v0 =	vadd.f32 v1, v0  }
0x9b: {  	s26 =	simm.s32 $0x100;
	[tilespmem:s24+$0x19480] =	vst v2;
	v1 =	vadd.f32 v22, v10;
	v2 =	vadd.f32 v23, v11;
	v10 =	vadd.s32 v7, v63;
	v7 =	vld [tilespmem:s24+$0x17BE0]  }
.LBB2_10:
0x9c: {  	s28 =	sshra.s32 s26, $0x2;
	v5 =	vadd.s32 v5, v8;
	v8 =	vld [tilespmem:s24+$0x17BF0]  }
0x9d: {  	v11 =	vld [tilespmem:s28+$0x12600];
	v5 =	vcvt.s32.f32 v5;
	v3 =	vadd.s32 v3, v9  }
0x9e: {  	s25 =	sadd.s32 $0x40, s25;
	v9 =	vld [tilespmem:s28+$0x13240];
	v3 =	vcvt.s32.f32 v3;
	v4 =	vadd.s32 v4, v10  }
0x9f: {  	s29 =	sand.u32 $0xFC0, s25;
	p0 =	slt.u32 s25, $0xC00;
	v10 =	vld [tilespmem:s28+$0x16340];
	v0 =	vadd.f32 v6, v0;
	v4 =	vcvt.s32.f32 v4  }
0xa0: {  	v6 =	vld [tilespmem:s29+$0x15700];
	v1 =	vadd.f32 v7, v1  }
0xa1: {  	v7 =	vld [tilespmem:s29+$0x13E80];
	v0 =	vadd.f32 v5, v0;
	v2 =	vadd.f32 v8, v2  }
0xa2: {  	v5 =	vld [tilespmem:s29+$0x16F80];
	v1 =	vadd.f32 v3, v1  }
0xa3: {  	v3 =	vld [tilespmem:s28+$0x14AC0];
	[tilespmem:s24+$0x19490] =	vst v0;
	v0 =	vadd.f32 v4, v2  }
0xa4: {  	v2 =	vld [tilespmem:s28+$0x17BC0];
	[tilespmem:s24+$0x194A0] =	vst v1  }
0xa5: {  	v1 =	vadd.f32 v10, v6;
	v4 =	vld [tilespmem:s28+$0x15710];
	[tilespmem:s24+$0x194B0] =	vst v0;
	s24 =	smov.u32 s28  }
0xa6: {  	v0 =	vadd.s32 v11, v9;
	v6 =	vld [tilespmem:s24+$0x16350]  }
0xa7: {  	v0 =	vadd.s32 v7, v0;
	v1 =	vadd.f32 v5, v1;
	v5 =	vld [tilespmem:s24+$0x15720]  }
0xa8: {  	v0 =	vadd.s32 v3, v0;
	v3 =	vld [tilespmem:s24+$0x16360]  }
0xa9: {  	v1 =	vadd.f32 v2, v1;
	v0 =	vcvt.s32.f32 v0;
	v2 =	vld [tilespmem:s24+$0x15730]  }
0xaa: {  	v7 =	vld [tilespmem:s24+$0x16370]  }
0xab: {  	v0 =	vadd.f32 v0, v1;
	v1 =	vld [tilespmem:s24+$0x12610];
	v4 =	vadd.f32 v6, v4  }
0xac: {  	v6 =	vld [tilespmem:s24+$0x13250]  }
0xad: {  	[tilespmem:s24+$0x19480] =	vst v0;
	v0 =	vld [tilespmem:s24+$0x12620];
	v10 =	vadd.f32 v3, v5  }
0xae: {  	v3 =	vld [tilespmem:s24+$0x13260]  }
0xaf: {  	v5 =	vld [tilespmem:s24+$0x12630];
	v2 =	vadd.f32 v7, v2  }
0xb0: {  	v7 =	vld [tilespmem:s24+$0x13270]  }
0xb1: {  	v8 =	vld [tilespmem:s24+$0x13E90];
	v1 =	vadd.s32 v1, v6  }
0xb2: {  	v6 =	vld [tilespmem:s24+$0x16F90]  }
0xb3: {  	v9 =	vld [tilespmem:s24+$0x13EA0];
	v11 =	vadd.s32 v0, v3  }
0xb4: {  	v12 =	vld [tilespmem:s24+$0x16FA0]  }
0xb5: {  	v13 =	vld [tilespmem:s24+$0x13EB0];
	v7 =	vadd.s32 v5, v7  }
0xb6: {  	v8 =	vadd.s32 v8, v1;
	v14 =	vld [tilespmem:s24+$0x16FB0]  }
.Ltmp4:
0xb7: {  	v5 =	vld [tilespmem:s24+$0x14AD0];
	v0 =	vadd.f32 v6, v4;
	(pc) =	sbr.rel @p0 .LBB2_10-.Ltmp4, $4  }
0xb8: {  	v3 =	vld [tilespmem:s24+$0x14AE0];
	v9 =	vadd.s32 v9, v11  }
0xb9: {  	v1 =	vadd.f32 v12, v10;
	v4 =	vld [tilespmem:s24+$0x14AF0]  }
0xba: {  	v6 =	vld [tilespmem:s24+$0x17BD0];
	v10 =	vadd.s32 v13, v7  }
0xbb: {  	s26 =	sadd.s32 $0x100, s26;
	v7 =	vld [tilespmem:s24+$0x17BE0];
	v2 =	vadd.f32 v14, v2  }
0xbc: {  	v11 =	vld [tilespmem:s24+$0x17BF0];
	_ =	sdelay $0x1  }
0xbd: {  	v5 =	vadd.s32 v5, v8  }
0xbe: {  	v5 =	vcvt.s32.f32 v5;
	v3 =	vadd.s32 v3, v9;
	v0 =	vadd.f32 v6, v0  }
0xbf: {  	s20 =	sadd.s32 $0x1, s20;
	v3 =	vcvt.s32.f32 v3;
	v4 =	vadd.s32 v4, v10;
	v1 =	vadd.f32 v7, v1  }
0xc0: {  	s23 =	smul.u32 $0xC40, s23;
	p0 =	sne.s32 s20, $0x8;
	v4 =	vcvt.s32.f32 v4;
	v0 =	vadd.f32 v5, v0;
	v2 =	vadd.f32 v11, v2  }
.Ltmp5:
0xc1: {  	v1 =	vadd.f32 v3, v1;
	(pc) =	sbr.rel @p0 .LBB2_3-.Ltmp5, $4  }
0xc2: {  	s23 =	sadd.s32 s19, s23;
	[tilespmem:s24+$0x19490] =	vst v0;
	v63 =	vadd.f32 v4, v2  }
0xc3: {  	s23 =	sshrl.u32 s23, $0x3;
	[tilespmem:s24+$0x194A0] =	vst v1  }
0xc4: {  	s23 =	sadd.s32 s5, s23;
	[tilespmem:s24+$0x194B0] =	vst v63  }
0xc5: {  	[hbm4b:s23+s2] =	stream.linear.scatter [tilespmem:s15], [sflag:$0x4], $0xC40, $0x38;
	[tilespmem:$0x1A100] =	vst v63  }
0xc6: {  	s18 =	sadd.s32 $0x1, s18  }
0xc7: {  	_ =	swait.ge [sflag:s16], $0xC40;
	p0 =	sne.s32 s18, $0x18  }
.Ltmp6:
0xc8: {  	[sflag:s16] =	ssyncset.done $0x0;
	(pc) =	sbr.rel @p0 .LBB2_2-.Ltmp6, $4  }
0xc9: {  	[sflag:s16] =	ssyncadd.s32 $0xFFFFF3C0  }
0xca: {  	_ =	swait.ge [sflag:s14], $0xC40  }
0xcb: {  	[sflag:s14] =	ssyncset.done $0x0  }
0xcc: {  	[sflag:s14] =	ssyncadd.s32 $0xFFFFF3C0  }
0xcd: {  	s17 =	sadd.s32 $0x1, s17  }
0xce: {  	p0 =	sne.s32 s17, s7  }
.Ltmp7:
0xcf: {  	_ = 	snop;
	(pc) =	sbr.rel @p0 .LBB2_1-.Ltmp7, $1  }
0xd0: {  	_ =	sdelay $0x3  }
0xd1: {  	_ =	sfence.sel $0x180000  }
0xd2: {  	[bflag:$0x0] =	sbarrier.arrive $0xFFFF  }
0xd3: {  	p0 =	sne.s32 s3, $0x0;
	_ =	strace $0x90000047  }
0xd4: {  	s0 =	sadd.s32 @!p0 $0x100000, s0;
	[bflag:$0x2] =	sbarrier.arrive $0xFFFF  }
0xd5: {  	[sflag:s0] =	ssyncadd.tile.s32 @!p0 $0x1;
	_ =	shalt  }
.Lfunc_end2:
_tile_overlayer_lowered:
.L_overlay_start_2:
0xd6: {  	(tag) =	ssettag $0x2  }
0xd7: {  	s0 =	rddreg [dreg:$0x0];
	s2 =	stileid.u32  }
0xd8: {  	s1 =	rddreg [dreg:$0x1];
	p0 =	sne.s32 s2, $0x0  }
0xd9: {  	s3 =	rddreg [dreg:$0x2];
	[bflag:$0x3] =	sbarrier.arrive $0xFFFF;
	s2 =	simm.s32 @!p0 $0x1C05  }
0xda: {  	[timem:s3], [sflag:s2] =	dma.local @!p0 [hbm:s0], s1  }
0xdb: {  	s0 =	simm.s32 @!p0 $0x5  }
0xdc: {  	_ =	swait.ge @!p0 [sflag:s0], s1  }
0xdd: {  	s1 =	ssub.s32 @!p0 $0x0, s1;
	[sflag:s0] =	ssyncset.done @!p0 $0x0  }
0xde: {  	[sflag:s0] =	ssyncadd.s32 @!p0 s1  }
0xdf: {  	[bflag:$0x3] =	sbarrier.arrive $0xFFFF  }
0xe0: {  	_ =	shalt  }

</sc_bundles>
